<compile_context>
chip_gen: v7x
topology: tpu7x:2x2x1
jax: 0.10.2.dev20260603
libtpu: 0.0.44.dev20260713+nightly
codegen_flags: <defaults>
</compile_context>

<pallas_src>
import jax
import jax.numpy as jnp
from jax import lax
from jax.experimental import pallas as pl
from jax.experimental.pallas import tpu as pltpu
from jax.experimental.pallas import tpu_sc as plsc

L = 16
NC, NS = 2, 16
NW = NC * NS
C = 32
NBUF = 4
EPS = 1e-12
N_SLICES = 1
TC_BLK = 2048


def _make_sc_gather(steps, D):
    mesh = plsc.VectorSubcoreMesh(core_axis_name="c", subcore_axis_name="s",
                                  num_cores=NC, num_subcores=NS)

    def body(ids_hbm, w_hbm, out_hbm, idx_v, b0, b1, b2, b3,
             g0, g1, g2, g3, o0, o1, o2, o3):
        cid = lax.axis_index("c")
        sid = lax.axis_index("s")
        wid = sid * NC + cid
        pltpu.sync_copy(ids_hbm.at[wid], idx_v)

        bufs = (b0, b1, b2, b3)
        gsems = (g0, g1, g2, g3)
        osems = (o0, o1, o2, o3)

        def gather(c, k):
            pltpu.async_copy(w_hbm.at[idx_v.at[c]], bufs[k], gsems[k])

        def phase(c, k):
            pltpu.make_async_copy(w_hbm.at[idx_v.at[c]], bufs[k],
                                  gsems[k]).wait()
            pltpu.async_copy(bufs[k], out_hbm.at[wid, c], osems[k])

            @pl.when(c >= 1)
            def _():
                k3 = (k + 3) % NBUF
                pltpu.make_async_copy(bufs[k3], out_hbm.at[wid, c - 1],
                                      osems[k3]).wait()

            @pl.when(c + 3 < steps)
            def _():
                gather(c + 3, (k + 3) % NBUF)

        gather(0, 0)
        gather(1, 1)
        gather(2, 2)

        def dstep(h, carry):
            c0 = NBUF * h
            for k in range(NBUF):
                phase(c0 + k, k)
            return carry

        lax.fori_loop(0, steps // NBUF, dstep, 0)
        pltpu.make_async_copy(bufs[(steps - 1) % NBUF],
                              out_hbm.at[wid, steps - 1],
                              osems[(steps - 1) % NBUF]).wait()

    return pl.kernel(
        body,
        out_type=jax.ShapeDtypeStruct((NW, steps, C, D), jnp.float32),
        mesh=mesh,
        compiler_params=pltpu.CompilerParams(needs_layout_passes=False),
        scratch_types=(
            [pltpu.VMEM((steps, C), jnp.int32)]
            + [pltpu.VMEM((C, D), jnp.float32)] * NBUF
            + [pltpu.SemaphoreType.DMA] * (2 * NBUF)
        ),
    )


def _tc_ln_kernel(x_ref, g_ref, b_ref, o_ref):
    v = x_ref[...]
    mean = jnp.mean(v, axis=1, keepdims=True)
    var = jnp.mean(v * v, axis=1, keepdims=True) - mean * mean
    rinv = lax.rsqrt(var + EPS)
    o_ref[...] = (v - mean) * rinv * g_ref[...] + b_ref[...]


def _make_tc_ln(R, D):
    grid = (R // TC_BLK,)
    return pl.pallas_call(
        _tc_ln_kernel,
        grid=grid,
        in_specs=[
            pl.BlockSpec((TC_BLK, D), lambda i: (i, 0)),
            pl.BlockSpec((1, D), lambda i: (0, 0)),
            pl.BlockSpec((1, D), lambda i: (0, 0)),
        ],
        out_specs=pl.BlockSpec((TC_BLK, D), lambda i: (i, 0)),
        out_shape=jax.ShapeDtypeStruct((R, D), jnp.float32),
        compiler_params=pltpu.CompilerParams(
            dimension_semantics=("parallel",)),
    )


def kernel(input_ids, W, gamma, beta):
    orig_shape = input_ids.shape
    B = input_ids.size
    _, D = W.shape
    b_slice = B // N_SLICES
    steps = b_slice // (NW * C)
    sc_gather = _make_sc_gather(steps, D)
    tc_ln = _make_tc_ln(b_slice, D)
    g2 = gamma.reshape(1, D)
    b2 = beta.reshape(1, D)
    ids = input_ids.reshape(N_SLICES, NW, steps, C).astype(jnp.int32)
    raws = [sc_gather(ids[si], W) for si in range(N_SLICES)]
    outs = [tc_ln(raw.reshape(b_slice, D), g2, b2) for raw in raws]
    out = jnp.concatenate(outs, axis=0)
    return out.reshape(*orig_shape, D)

# --- scband reference (transcript-rebuilt; emitter-appended) ---
"""Pipeline reference for scband-embeddings-63221918597512 (READ-ONLY COPY).

The authoritative reference and input builder live on the scoring server;
editing this copy changes nothing except your own understanding.
"""

import jax, jax.numpy as jnp
import numpy as np

VOCAB = 100000
HIDDEN = 768
EPS = 1e-12

def setup_inputs(seed: int = 0) -> dict:
    key = jax.random.key(seed)
    k1, k2 = jax.random.split(key, 2)
    input_ids = jax.random.randint(k1, (4, 8192), 0, VOCAB)
    W = jax.random.normal(k2, (VOCAB, HIDDEN), dtype=jnp.float32) * 0.02
    gamma = jnp.ones((HIDDEN,), dtype=jnp.float32)
    beta = jnp.zeros((HIDDEN,), dtype=jnp.float32)
    return {"input_ids": input_ids, "W": W, "gamma": gamma, "beta": beta}

def reference(input_ids, W, gamma, beta):
    # word embedding lookup (gather)
    emb = jnp.take(W, input_ids, axis=0)
    # LayerNorm over last dim (eps=1e-12)
    mean = jnp.mean(emb, axis=-1, keepdims=True)
    var = jnp.var(emb, axis=-1, keepdims=True)
    norm = (emb - mean) / jnp.sqrt(var + EPS)
    out = norm * gamma + beta
    # dropout is identity in eval mode
    return out

if __name__ == "__main__":
    import jax
    _d = setup_inputs()
    print(jax.jit(kernel)(*tuple(_d.values())))

</pallas_src>

<mosaic_0001>
#map = affine_map<(d0, d1) -> (0, 0, 0)>
#map1 = affine_map<(d0, d1) -> (0, 0)>
#map2 = affine_map<(d0, d1) -> (0, 0, 0, 0)>
module attributes {stable_mosaic.version = 14 : i64} {
  func.func @body(%arg0: i32, %arg1: i32, %arg2: memref<32x32x32xi32, #tpu.memory_space<hbm>>, %arg3: memref<100000x768xf32, #tpu.memory_space<hbm>>, %arg4: memref<32x32x32x768xf32, #tpu.memory_space<hbm>>, %arg5: memref<32x32xi32, #tpu.memory_space<vmem>>, %arg6: memref<32x768xf32, #tpu.memory_space<vmem>>, %arg7: memref<32x768xf32, #tpu.memory_space<vmem>>, %arg8: memref<32x768xf32, #tpu.memory_space<vmem>>, %arg9: memref<32x768xf32, #tpu.memory_space<vmem>>, %arg10: memref<!tpu.dma_semaphore, #tpu.memory_space<semaphore_mem>>, %arg11: memref<!tpu.dma_semaphore, #tpu.memory_space<semaphore_mem>>, %arg12: memref<!tpu.dma_semaphore, #tpu.memory_space<semaphore_mem>>, %arg13: memref<!tpu.dma_semaphore, #tpu.memory_space<semaphore_mem>>, %arg14: memref<!tpu.dma_semaphore, #tpu.memory_space<semaphore_mem>>, %arg15: memref<!tpu.dma_semaphore, #tpu.memory_space<semaphore_mem>>, %arg16: memref<!tpu.dma_semaphore, #tpu.memory_space<semaphore_mem>>, %arg17: memref<!tpu.dma_semaphore, #tpu.memory_space<semaphore_mem>>) attributes {dimension_semantics = [#tpu.dimension_semantics<core_parallel>, #tpu.dimension_semantics<subcore_parallel>], iteration_bounds = array<i64: 2, 16>, scalar_prefetch = 0 : i64, scratch_operands = 13 : i64, tpu.core_type = #tpu.core_type<sc_vector_subcore>, window_params = [{transform_indices = #map}, {transform_indices = #map1}, {transform_indices = #map2}]} {
    %mul3A = arith.constant 2 : i32
    %mul3A_0 = arith.muli %arg1, %mul3A : i32
    %add3A = arith.addi %mul3A_0, %arg0 : i32
    "tpu.region"() ({
      %run_scoped3A = tpu.sem_alloc : memref<!tpu.dma_semaphore, #tpu.memory_space<semaphore_mem>>
      %dma_start3A_34 = arith.constant 0 : i32
      %dma_start3A_35 = arith.constant 0 : i32
      %dma_start3A_36 = tpu.memref_slice %arg2[%add3A, %dma_start3A_34, %dma_start3A_35] : memref<32x32x32xi32, #tpu.memory_space<hbm>> -> memref<1x32x32xi32, #tpu.memory_space<hbm>>
      %dma_start3A_37 = tpu.memref_squeeze %dma_start3A_36 : memref<1x32x32xi32, #tpu.memory_space<hbm>> -> memref<32x32xi32, #tpu.memory_space<hbm>>
      %dma_start3A_38 = arith.constant 0 : i32
      %dma_start3A_39 = arith.constant 0 : i32
      %dma_start3A_40 = tpu.memref_slice %arg2[%add3A, %dma_start3A_38, %dma_start3A_39] : memref<32x32x32xi32, #tpu.memory_space<hbm>> -> memref<1x32x32xi32, #tpu.memory_space<hbm>>
      %dma_start3A_41 = tpu.memref_squeeze %dma_start3A_40 : memref<1x32x32xi32, #tpu.memory_space<hbm>> -> memref<32x32xi32, #tpu.memory_space<hbm>>
      tpu.enqueue_dma source(%dma_start3A_41 : memref<32x32xi32, #tpu.memory_space<hbm>>) target(%arg5 : memref<32x32xi32, #tpu.memory_space<vmem>>) target_semaphore(%run_scoped3A : memref<!tpu.dma_semaphore, #tpu.memory_space<semaphore_mem>>)
      %dma_wait3A_42 = arith.constant 0 : i32
      %dma_wait3A_43 = arith.constant 0 : i32
      %dma_wait3A_44 = tpu.memref_slice %arg2[%add3A, %dma_wait3A_42, %dma_wait3A_43] : memref<32x32x32xi32, #tpu.memory_space<hbm>> -> memref<1x32x32xi32, #tpu.memory_space<hbm>>
      %dma_wait3A_45 = tpu.memref_squeeze %dma_wait3A_44 : memref<1x32x32xi32, #tpu.memory_space<hbm>> -> memref<32x32xi32, #tpu.memory_space<hbm>>
      %dma_wait3A_46 = arith.constant 0 : i32
      %dma_wait3A_47 = arith.constant 0 : i32
      %dma_wait3A_48 = tpu.memref_slice %arg2[%add3A, %dma_wait3A_46, %dma_wait3A_47] : memref<32x32x32xi32, #tpu.memory_space<hbm>> -> memref<1x32x32xi32, #tpu.memory_space<hbm>>
      %dma_wait3A_49 = tpu.memref_squeeze %dma_wait3A_48 : memref<1x32x32xi32, #tpu.memory_space<hbm>> -> memref<32x32xi32, #tpu.memory_space<hbm>>
      tpu.wait_dma2 semaphore(%run_scoped3A : memref<!tpu.dma_semaphore, #tpu.memory_space<semaphore_mem>>) src(%dma_wait3A_49 : memref<32x32xi32, #tpu.memory_space<hbm>>) dst(%arg5 : memref<32x32xi32, #tpu.memory_space<vmem>>)
      tpu.yield
    }) : () -> ()
    %dma_start3A = arith.constant 0 : i32
    %dma_start3A_1 = arith.constant 0 : i32
    %dma_start3A_2 = tpu.memref_slice %arg5[%dma_start3A, %dma_start3A_1] : memref<32x32xi32, #tpu.memory_space<vmem>> -> memref<1x32xi32, #tpu.memory_space<vmem>>
    %dma_start3A_3 = tpu.memref_squeeze %dma_start3A_2 : memref<1x32xi32, #tpu.memory_space<vmem>> -> memref<32xi32, #tpu.memory_space<vmem>>
    %dma_start3A_4 = arith.constant 0 : i32
    %dma_start3A_5 = arith.constant 0 : i32
    %dma_start3A_6 = tpu.memref_slice %arg3[%dma_start3A_4, %dma_start3A_5] : memref<100000x768xf32, #tpu.memory_space<hbm>> -> memref<100000x768xf32, #tpu.memory_space<hbm>>
    tpu.enqueue_indirect_dma source(%dma_start3A_6 : memref<100000x768xf32, #tpu.memory_space<hbm>>) target(%arg6 : memref<32x768xf32, #tpu.memory_space<vmem>>) offsets(%dma_start3A_3 : memref<32xi32, #tpu.memory_space<vmem>>) semaphore(%arg10 : memref<!tpu.dma_semaphore, #tpu.memory_space<semaphore_mem>>)
    %dma_start3A_7 = arith.constant 1 : i32
    %dma_start3A_8 = arith.constant 0 : i32
    %dma_start3A_9 = tpu.memref_slice %arg5[%dma_start3A_7, %dma_start3A_8] : memref<32x32xi32, #tpu.memory_space<vmem>> -> memref<1x32xi32, #tpu.memory_space<vmem>>
    %dma_start3A_10 = tpu.memref_squeeze %dma_start3A_9 : memref<1x32xi32, #tpu.memory_space<vmem>> -> memref<32xi32, #tpu.memory_space<vmem>>
    %dma_start3A_11 = arith.constant 0 : i32
    %dma_start3A_12 = arith.constant 0 : i32
    %dma_start3A_13 = tpu.memref_slice %arg3[%dma_start3A_11, %dma_start3A_12] : memref<100000x768xf32, #tpu.memory_space<hbm>> -> memref<100000x768xf32, #tpu.memory_space<hbm>>
    tpu.enqueue_indirect_dma source(%dma_start3A_13 : memref<100000x768xf32, #tpu.memory_space<hbm>>) target(%arg7 : memref<32x768xf32, #tpu.memory_space<vmem>>) offsets(%dma_start3A_10 : memref<32xi32, #tpu.memory_space<vmem>>) semaphore(%arg11 : memref<!tpu.dma_semaphore, #tpu.memory_space<semaphore_mem>>)
    %dma_start3A_14 = arith.constant 2 : i32
    %dma_start3A_15 = arith.constant 0 : i32
    %dma_start3A_16 = tpu.memref_slice %arg5[%dma_start3A_14, %dma_start3A_15] : memref<32x32xi32, #tpu.memory_space<vmem>> -> memref<1x32xi32, #tpu.memory_space<vmem>>
    %dma_start3A_17 = tpu.memref_squeeze %dma_start3A_16 : memref<1x32xi32, #tpu.memory_space<vmem>> -> memref<32xi32, #tpu.memory_space<vmem>>
    %dma_start3A_18 = arith.constant 0 : i32
    %dma_start3A_19 = arith.constant 0 : i32
    %dma_start3A_20 = tpu.memref_slice %arg3[%dma_start3A_18, %dma_start3A_19] : memref<100000x768xf32, #tpu.memory_space<hbm>> -> memref<100000x768xf32, #tpu.memory_space<hbm>>
    tpu.enqueue_indirect_dma source(%dma_start3A_20 : memref<100000x768xf32, #tpu.memory_space<hbm>>) target(%arg8 : memref<32x768xf32, #tpu.memory_space<vmem>>) offsets(%dma_start3A_17 : memref<32xi32, #tpu.memory_space<vmem>>) semaphore(%arg12 : memref<!tpu.dma_semaphore, #tpu.memory_space<semaphore_mem>>)
    %scan3A = arith.constant 0 : i32
    %scan3A_21 = arith.constant 0 : i32
    %scan3A_22 = arith.constant 8 : i32
    %scan3A_23 = arith.addi %scan3A_21, %scan3A_22 : i32
    %scan3A_24 = arith.constant 1 : i32
    scf.for %scan3A_34 = %scan3A_21 to %scan3A_23 step %scan3A_24  : i32 {
      %mul3A_35 = arith.constant 4 : i32
      %mul3A_36 = arith.muli %mul3A_35, %scan3A_34 : i32
      %add3A_37 = arith.constant 0 : i32
      %add3A_38 = arith.addi %mul3A_36, %add3A_37 : i32
      %dma_wait3A_39 = arith.constant 0 : i32
      %dma_wait3A_40 = tpu.memref_slice %arg5[%add3A_38, %dma_wait3A_39] : memref<32x32xi32, #tpu.memory_space<vmem>> -> memref<1x32xi32, #tpu.memory_space<vmem>>
      %dma_wait3A_41 = tpu.memref_squeeze %dma_wait3A_40 : memref<1x32xi32, #tpu.memory_space<vmem>> -> memref<32xi32, #tpu.memory_space<vmem>>
      %dma_wait3A_42 = arith.constant 0 : i32
      %dma_wait3A_43 = arith.constant 0 : i32
      %dma_wait3A_44 = tpu.memref_slice %arg3[%dma_wait3A_42, %dma_wait3A_43] : memref<100000x768xf32, #tpu.memory_space<hbm>> -> memref<100000x768xf32, #tpu.memory_space<hbm>>
      tpu.wait_indirect_dma semaphore(%arg10 : memref<!tpu.dma_semaphore, #tpu.memory_space<semaphore_mem>>) src(%dma_wait3A_44 : memref<100000x768xf32, #tpu.memory_space<hbm>>) dst(%arg6 : memref<32x768xf32, #tpu.memory_space<vmem>>)
      %dma_start3A_45 = arith.constant 0 : i32
      %dma_start3A_46 = arith.constant 0 : i32
      %dma_start3A_47 = tpu.memref_slice %arg4[%add3A, %add3A_38, %dma_start3A_45, %dma_start3A_46] : memref<32x32x32x768xf32, #tpu.memory_space<hbm>> -> memref<1x1x32x768xf32, #tpu.memory_space<hbm>>
      %dma_start3A_48 = tpu.memref_squeeze %dma_start3A_47 : memref<1x1x32x768xf32, #tpu.memory_space<hbm>> -> memref<32x768xf32, #tpu.memory_space<hbm>>
      %dma_start3A_49 = arith.constant 0 : i32
      %dma_start3A_50 = arith.constant 0 : i32
      %dma_start3A_51 = tpu.memref_slice %arg4[%add3A, %add3A_38, %dma_start3A_49, %dma_start3A_50] : memref<32x32x32x768xf32, #tpu.memory_space<hbm>> -> memref<1x1x32x768xf32, #tpu.memory_space<hbm>>
      %dma_start3A_52 = tpu.memref_squeeze %dma_start3A_51 : memref<1x1x32x768xf32, #tpu.memory_space<hbm>> -> memref<32x768xf32, #tpu.memory_space<hbm>>
      tpu.enqueue_dma source(%arg6 : memref<32x768xf32, #tpu.memory_space<vmem>>) target(%dma_start3A_52 : memref<32x768xf32, #tpu.memory_space<hbm>>) target_semaphore(%arg14 : memref<!tpu.dma_semaphore, #tpu.memory_space<semaphore_mem>>)
      %ge3A = arith.constant 1 : i32
      %ge3A_53 = arith.cmpi sge, %add3A_38, %ge3A : i32
      %convert_element_type3A = arith.extui %ge3A_53 : i1 to i32
      %cond3A = arith.constant 0 : i32
      %cond3A_54 = arith.cmpi ne, %convert_element_type3A, %cond3A : i32
      scf.if %cond3A_54 {
        %sub3A = arith.constant 1 : i32
        %sub3A_145 = arith.subi %add3A_38, %sub3A : i32
        %dma_wait3A_146 = arith.constant 0 : i32
        %dma_wait3A_147 = arith.constant 0 : i32
        %dma_wait3A_148 = tpu.memref_slice %arg4[%add3A, %sub3A_145, %dma_wait3A_146, %dma_wait3A_147] : memref<32x32x32x768xf32, #tpu.memory_space<hbm>> -> memref<1x1x32x768xf32, #tpu.memory_space<hbm>>
        %dma_wait3A_149 = tpu.memref_squeeze %dma_wait3A_148 : memref<1x1x32x768xf32, #tpu.memory_space<hbm>> -> memref<32x768xf32, #tpu.memory_space<hbm>>
        %dma_wait3A_150 = arith.constant 0 : i32
        %dma_wait3A_151 = arith.constant 0 : i32
        %dma_wait3A_152 = tpu.memref_slice %arg4[%add3A, %sub3A_145, %dma_wait3A_150, %dma_wait3A_151] : memref<32x32x32x768xf32, #tpu.memory_space<hbm>> -> memref<1x1x32x768xf32, #tpu.memory_space<hbm>>
        %dma_wait3A_153 = tpu.memref_squeeze %dma_wait3A_152 : memref<1x1x32x768xf32, #tpu.memory_space<hbm>> -> memref<32x768xf32, #tpu.memory_space<hbm>>
        tpu.wait_dma2 semaphore(%arg17 : memref<!tpu.dma_semaphore, #tpu.memory_space<semaphore_mem>>) src(%arg9 : memref<32x768xf32, #tpu.memory_space<vmem>>) dst(%dma_wait3A_153 : memref<32x768xf32, #tpu.memory_space<hbm>>)
      } else {
      }
      %add3A_55 = arith.constant 3 : i32
      %add3A_56 = arith.addi %add3A_38, %add3A_55 : i32
      %lt3A = arith.constant 32 : i32
      %lt3A_57 = arith.cmpi slt, %add3A_56, %lt3A : i32
      %convert_element_type3A_58 = arith.extui %lt3A_57 : i1 to i32
      %cond3A_59 = arith.constant 0 : i32
      %cond3A_60 = arith.cmpi ne, %convert_element_type3A_58, %cond3A_59 : i32
      scf.if %cond3A_60 {
        %add3A_145 = arith.constant 3 : i32
        %add3A_146 = arith.addi %add3A_38, %add3A_145 : i32
        %dma_start3A_147 = arith.constant 0 : i32
        %dma_start3A_148 = tpu.memref_slice %arg5[%add3A_146, %dma_start3A_147] : memref<32x32xi32, #tpu.memory_space<vmem>> -> memref<1x32xi32, #tpu.memory_space<vmem>>
        %dma_start3A_149 = tpu.memref_squeeze %dma_start3A_148 : memref<1x32xi32, #tpu.memory_space<vmem>> -> memref<32xi32, #tpu.memory_space<vmem>>
        %dma_start3A_150 = arith.constant 0 : i32
        %dma_start3A_151 = arith.constant 0 : i32
        %dma_start3A_152 = tpu.memref_slice %arg3[%dma_start3A_150, %dma_start3A_151] : memref<100000x768xf32, #tpu.memory_space<hbm>> -> memref<100000x768xf32, #tpu.memory_space<hbm>>
        tpu.enqueue_indirect_dma source(%dma_start3A_152 : memref<100000x768xf32, #tpu.memory_space<hbm>>) target(%arg9 : memref<32x768xf32, #tpu.memory_space<vmem>>) offsets(%dma_start3A_149 : memref<32xi32, #tpu.memory_space<vmem>>) semaphore(%arg13 : memref<!tpu.dma_semaphore, #tpu.memory_space<semaphore_mem>>)
      } else {
      }
      %add3A_61 = arith.constant 1 : i32
      %add3A_62 = arith.addi %mul3A_36, %add3A_61 : i32
      %dma_wait3A_63 = arith.constant 0 : i32
      %dma_wait3A_64 = tpu.memref_slice %arg5[%add3A_62, %dma_wait3A_63] : memref<32x32xi32, #tpu.memory_space<vmem>> -> memref<1x32xi32, #tpu.memory_space<vmem>>
      %dma_wait3A_65 = tpu.memref_squeeze %dma_wait3A_64 : memref<1x32xi32, #tpu.memory_space<vmem>> -> memref<32xi32, #tpu.memory_space<vmem>>
      %dma_wait3A_66 = arith.constant 0 : i32
      %dma_wait3A_67 = arith.constant 0 : i32
      %dma_wait3A_68 = tpu.memref_slice %arg3[%dma_wait3A_66, %dma_wait3A_67] : memref<100000x768xf32, #tpu.memory_space<hbm>> -> memref<100000x768xf32, #tpu.memory_space<hbm>>
      tpu.wait_indirect_dma semaphore(%arg11 : memref<!tpu.dma_semaphore, #tpu.memory_space<semaphore_mem>>) src(%dma_wait3A_68 : memref<100000x768xf32, #tpu.memory_space<hbm>>) dst(%arg7 : memref<32x768xf32, #tpu.memory_space<vmem>>)
      %dma_start3A_69 = arith.constant 0 : i32
      %dma_start3A_70 = arith.constant 0 : i32
      %dma_start3A_71 = tpu.memref_slice %arg4[%add3A, %add3A_62, %dma_start3A_69, %dma_start3A_70] : memref<32x32x32x768xf32, #tpu.memory_space<hbm>> -> memref<1x1x32x768xf32, #tpu.memory_space<hbm>>
      %dma_start3A_72 = tpu.memref_squeeze %dma_start3A_71 : memref<1x1x32x768xf32, #tpu.memory_space<hbm>> -> memref<32x768xf32, #tpu.memory_space<hbm>>
      %dma_start3A_73 = arith.constant 0 : i32
      %dma_start3A_74 = arith.constant 0 : i32
      %dma_start3A_75 = tpu.memref_slice %arg4[%add3A, %add3A_62, %dma_start3A_73, %dma_start3A_74] : memref<32x32x32x768xf32, #tpu.memory_space<hbm>> -> memref<1x1x32x768xf32, #tpu.memory_space<hbm>>
      %dma_start3A_76 = tpu.memref_squeeze %dma_start3A_75 : memref<1x1x32x768xf32, #tpu.memory_space<hbm>> -> memref<32x768xf32, #tpu.memory_space<hbm>>
      tpu.enqueue_dma source(%arg7 : memref<32x768xf32, #tpu.memory_space<vmem>>) target(%dma_start3A_76 : memref<32x768xf32, #tpu.memory_space<hbm>>) target_semaphore(%arg15 : memref<!tpu.dma_semaphore, #tpu.memory_space<semaphore_mem>>)
      %ge3A_77 = arith.constant 1 : i32
      %ge3A_78 = arith.cmpi sge, %add3A_62, %ge3A_77 : i32
      %convert_element_type3A_79 = arith.extui %ge3A_78 : i1 to i32
      %cond3A_80 = arith.constant 0 : i32
      %cond3A_81 = arith.cmpi ne, %convert_element_type3A_79, %cond3A_80 : i32
      scf.if %cond3A_81 {
        %sub3A = arith.constant 1 : i32
        %sub3A_145 = arith.subi %add3A_62, %sub3A : i32
        %dma_wait3A_146 = arith.constant 0 : i32
        %dma_wait3A_147 = arith.constant 0 : i32
        %dma_wait3A_148 = tpu.memref_slice %arg4[%add3A, %sub3A_145, %dma_wait3A_146, %dma_wait3A_147] : memref<32x32x32x768xf32, #tpu.memory_space<hbm>> -> memref<1x1x32x768xf32, #tpu.memory_space<hbm>>
        %dma_wait3A_149 = tpu.memref_squeeze %dma_wait3A_148 : memref<1x1x32x768xf32, #tpu.memory_space<hbm>> -> memref<32x768xf32, #tpu.memory_space<hbm>>
        %dma_wait3A_150 = arith.constant 0 : i32
        %dma_wait3A_151 = arith.constant 0 : i32
        %dma_wait3A_152 = tpu.memref_slice %arg4[%add3A, %sub3A_145, %dma_wait3A_150, %dma_wait3A_151] : memref<32x32x32x768xf32, #tpu.memory_space<hbm>> -> memref<1x1x32x768xf32, #tpu.memory_space<hbm>>
        %dma_wait3A_153 = tpu.memref_squeeze %dma_wait3A_152 : memref<1x1x32x768xf32, #tpu.memory_space<hbm>> -> memref<32x768xf32, #tpu.memory_space<hbm>>
        tpu.wait_dma2 semaphore(%arg14 : memref<!tpu.dma_semaphore, #tpu.memory_space<semaphore_mem>>) src(%arg6 : memref<32x768xf32, #tpu.memory_space<vmem>>) dst(%dma_wait3A_153 : memref<32x768xf32, #tpu.memory_space<hbm>>)
      } else {
      }
      %add3A_82 = arith.constant 3 : i32
      %add3A_83 = arith.addi %add3A_62, %add3A_82 : i32
      %lt3A_84 = arith.constant 32 : i32
      %lt3A_85 = arith.cmpi slt, %add3A_83, %lt3A_84 : i32
      %convert_element_type3A_86 = arith.extui %lt3A_85 : i1 to i32
      %cond3A_87 = arith.constant 0 : i32
      %cond3A_88 = arith.cmpi ne, %convert_element_type3A_86, %cond3A_87 : i32
      scf.if %cond3A_88 {
        %add3A_145 = arith.constant 3 : i32
        %add3A_146 = arith.addi %add3A_62, %add3A_145 : i32
        %dma_start3A_147 = arith.constant 0 : i32
        %dma_start3A_148 = tpu.memref_slice %arg5[%add3A_146, %dma_start3A_147] : memref<32x32xi32, #tpu.memory_space<vmem>> -> memref<1x32xi32, #tpu.memory_space<vmem>>
        %dma_start3A_149 = tpu.memref_squeeze %dma_start3A_148 : memref<1x32xi32, #tpu.memory_space<vmem>> -> memref<32xi32, #tpu.memory_space<vmem>>
        %dma_start3A_150 = arith.constant 0 : i32
        %dma_start3A_151 = arith.constant 0 : i32
        %dma_start3A_152 = tpu.memref_slice %arg3[%dma_start3A_150, %dma_start3A_151] : memref<100000x768xf32, #tpu.memory_space<hbm>> -> memref<100000x768xf32, #tpu.memory_space<hbm>>
        tpu.enqueue_indirect_dma source(%dma_start3A_152 : memref<100000x768xf32, #tpu.memory_space<hbm>>) target(%arg6 : memref<32x768xf32, #tpu.memory_space<vmem>>) offsets(%dma_start3A_149 : memref<32xi32, #tpu.memory_space<vmem>>) semaphore(%arg10 : memref<!tpu.dma_semaphore, #tpu.memory_space<semaphore_mem>>)
      } else {
      }
      %add3A_89 = arith.constant 2 : i32
      %add3A_90 = arith.addi %mul3A_36, %add3A_89 : i32
      %dma_wait3A_91 = arith.constant 0 : i32
      %dma_wait3A_92 = tpu.memref_slice %arg5[%add3A_90, %dma_wait3A_91] : memref<32x32xi32, #tpu.memory_space<vmem>> -> memref<1x32xi32, #tpu.memory_space<vmem>>
      %dma_wait3A_93 = tpu.memref_squeeze %dma_wait3A_92 : memref<1x32xi32, #tpu.memory_space<vmem>> -> memref<32xi32, #tpu.memory_space<vmem>>
      %dma_wait3A_94 = arith.constant 0 : i32
      %dma_wait3A_95 = arith.constant 0 : i32
      %dma_wait3A_96 = tpu.memref_slice %arg3[%dma_wait3A_94, %dma_wait3A_95] : memref<100000x768xf32, #tpu.memory_space<hbm>> -> memref<100000x768xf32, #tpu.memory_space<hbm>>
      tpu.wait_indirect_dma semaphore(%arg12 : memref<!tpu.dma_semaphore, #tpu.memory_space<semaphore_mem>>) src(%dma_wait3A_96 : memref<100000x768xf32, #tpu.memory_space<hbm>>) dst(%arg8 : memref<32x768xf32, #tpu.memory_space<vmem>>)
      %dma_start3A_97 = arith.constant 0 : i32
      %dma_start3A_98 = arith.constant 0 : i32
      %dma_start3A_99 = tpu.memref_slice %arg4[%add3A, %add3A_90, %dma_start3A_97, %dma_start3A_98] : memref<32x32x32x768xf32, #tpu.memory_space<hbm>> -> memref<1x1x32x768xf32, #tpu.memory_space<hbm>>
      %dma_start3A_100 = tpu.memref_squeeze %dma_start3A_99 : memref<1x1x32x768xf32, #tpu.memory_space<hbm>> -> memref<32x768xf32, #tpu.memory_space<hbm>>
      %dma_start3A_101 = arith.constant 0 : i32
      %dma_start3A_102 = arith.constant 0 : i32
      %dma_start3A_103 = tpu.memref_slice %arg4[%add3A, %add3A_90, %dma_start3A_101, %dma_start3A_102] : memref<32x32x32x768xf32, #tpu.memory_space<hbm>> -> memref<1x1x32x768xf32, #tpu.memory_space<hbm>>
      %dma_start3A_104 = tpu.memref_squeeze %dma_start3A_103 : memref<1x1x32x768xf32, #tpu.memory_space<hbm>> -> memref<32x768xf32, #tpu.memory_space<hbm>>
      tpu.enqueue_dma source(%arg8 : memref<32x768xf32, #tpu.memory_space<vmem>>) target(%dma_start3A_104 : memref<32x768xf32, #tpu.memory_space<hbm>>) target_semaphore(%arg16 : memref<!tpu.dma_semaphore, #tpu.memory_space<semaphore_mem>>)
      %ge3A_105 = arith.constant 1 : i32
      %ge3A_106 = arith.cmpi sge, %add3A_90, %ge3A_105 : i32
      %convert_element_type3A_107 = arith.extui %ge3A_106 : i1 to i32
      %cond3A_108 = arith.constant 0 : i32
      %cond3A_109 = arith.cmpi ne, %convert_element_type3A_107, %cond3A_108 : i32
      scf.if %cond3A_109 {
        %sub3A = arith.constant 1 : i32
        %sub3A_145 = arith.subi %add3A_90, %sub3A : i32
        %dma_wait3A_146 = arith.constant 0 : i32
        %dma_wait3A_147 = arith.constant 0 : i32
        %dma_wait3A_148 = tpu.memref_slice %arg4[%add3A, %sub3A_145, %dma_wait3A_146, %dma_wait3A_147] : memref<32x32x32x768xf32, #tpu.memory_space<hbm>> -> memref<1x1x32x768xf32, #tpu.memory_space<hbm>>
        %dma_wait3A_149 = tpu.memref_squeeze %dma_wait3A_148 : memref<1x1x32x768xf32, #tpu.memory_space<hbm>> -> memref<32x768xf32, #tpu.memory_space<hbm>>
        %dma_wait3A_150 = arith.constant 0 : i32
        %dma_wait3A_151 = arith.constant 0 : i32
        %dma_wait3A_152 = tpu.memref_slice %arg4[%add3A, %sub3A_145, %dma_wait3A_150, %dma_wait3A_151] : memref<32x32x32x768xf32, #tpu.memory_space<hbm>> -> memref<1x1x32x768xf32, #tpu.memory_space<hbm>>
        %dma_wait3A_153 = tpu.memref_squeeze %dma_wait3A_152 : memref<1x1x32x768xf32, #tpu.memory_space<hbm>> -> memref<32x768xf32, #tpu.memory_space<hbm>>
        tpu.wait_dma2 semaphore(%arg15 : memref<!tpu.dma_semaphore, #tpu.memory_space<semaphore_mem>>) src(%arg7 : memref<32x768xf32, #tpu.memory_space<vmem>>) dst(%dma_wait3A_153 : memref<32x768xf32, #tpu.memory_space<hbm>>)
      } else {
      }
      %add3A_110 = arith.constant 3 : i32
      %add3A_111 = arith.addi %add3A_90, %add3A_110 : i32
      %lt3A_112 = arith.constant 32 : i32
      %lt3A_113 = arith.cmpi slt, %add3A_111, %lt3A_112 : i32
      %convert_element_type3A_114 = arith.extui %lt3A_113 : i1 to i32
      %cond3A_115 = arith.constant 0 : i32
      %cond3A_116 = arith.cmpi ne, %convert_element_type3A_114, %cond3A_115 : i32
      scf.if %cond3A_116 {
        %add3A_145 = arith.constant 3 : i32
        %add3A_146 = arith.addi %add3A_90, %add3A_145 : i32
        %dma_start3A_147 = arith.constant 0 : i32
        %dma_start3A_148 = tpu.memref_slice %arg5[%add3A_146, %dma_start3A_147] : memref<32x32xi32, #tpu.memory_space<vmem>> -> memref<1x32xi32, #tpu.memory_space<vmem>>
        %dma_start3A_149 = tpu.memref_squeeze %dma_start3A_148 : memref<1x32xi32, #tpu.memory_space<vmem>> -> memref<32xi32, #tpu.memory_space<vmem>>
        %dma_start3A_150 = arith.constant 0 : i32
        %dma_start3A_151 = arith.constant 0 : i32
        %dma_start3A_152 = tpu.memref_slice %arg3[%dma_start3A_150, %dma_start3A_151] : memref<100000x768xf32, #tpu.memory_space<hbm>> -> memref<100000x768xf32, #tpu.memory_space<hbm>>
        tpu.enqueue_indirect_dma source(%dma_start3A_152 : memref<100000x768xf32, #tpu.memory_space<hbm>>) target(%arg7 : memref<32x768xf32, #tpu.memory_space<vmem>>) offsets(%dma_start3A_149 : memref<32xi32, #tpu.memory_space<vmem>>) semaphore(%arg11 : memref<!tpu.dma_semaphore, #tpu.memory_space<semaphore_mem>>)
      } else {
      }
      %add3A_117 = arith.constant 3 : i32
      %add3A_118 = arith.addi %mul3A_36, %add3A_117 : i32
      %dma_wait3A_119 = arith.constant 0 : i32
      %dma_wait3A_120 = tpu.memref_slice %arg5[%add3A_118, %dma_wait3A_119] : memref<32x32xi32, #tpu.memory_space<vmem>> -> memref<1x32xi32, #tpu.memory_space<vmem>>
      %dma_wait3A_121 = tpu.memref_squeeze %dma_wait3A_120 : memref<1x32xi32, #tpu.memory_space<vmem>> -> memref<32xi32, #tpu.memory_space<vmem>>
      %dma_wait3A_122 = arith.constant 0 : i32
      %dma_wait3A_123 = arith.constant 0 : i32
      %dma_wait3A_124 = tpu.memref_slice %arg3[%dma_wait3A_122, %dma_wait3A_123] : memref<100000x768xf32, #tpu.memory_space<hbm>> -> memref<100000x768xf32, #tpu.memory_space<hbm>>
      tpu.wait_indirect_dma semaphore(%arg13 : memref<!tpu.dma_semaphore, #tpu.memory_space<semaphore_mem>>) src(%dma_wait3A_124 : memref<100000x768xf32, #tpu.memory_space<hbm>>) dst(%arg9 : memref<32x768xf32, #tpu.memory_space<vmem>>)
      %dma_start3A_125 = arith.constant 0 : i32
      %dma_start3A_126 = arith.constant 0 : i32
      %dma_start3A_127 = tpu.memref_slice %arg4[%add3A, %add3A_118, %dma_start3A_125, %dma_start3A_126] : memref<32x32x32x768xf32, #tpu.memory_space<hbm>> -> memref<1x1x32x768xf32, #tpu.memory_space<hbm>>
      %dma_start3A_128 = tpu.memref_squeeze %dma_start3A_127 : memref<1x1x32x768xf32, #tpu.memory_space<hbm>> -> memref<32x768xf32, #tpu.memory_space<hbm>>
      %dma_start3A_129 = arith.constant 0 : i32
      %dma_start3A_130 = arith.constant 0 : i32
      %dma_start3A_131 = tpu.memref_slice %arg4[%add3A, %add3A_118, %dma_start3A_129, %dma_start3A_130] : memref<32x32x32x768xf32, #tpu.memory_space<hbm>> -> memref<1x1x32x768xf32, #tpu.memory_space<hbm>>
      %dma_start3A_132 = tpu.memref_squeeze %dma_start3A_131 : memref<1x1x32x768xf32, #tpu.memory_space<hbm>> -> memref<32x768xf32, #tpu.memory_space<hbm>>
      tpu.enqueue_dma source(%arg9 : memref<32x768xf32, #tpu.memory_space<vmem>>) target(%dma_start3A_132 : memref<32x768xf32, #tpu.memory_space<hbm>>) target_semaphore(%arg17 : memref<!tpu.dma_semaphore, #tpu.memory_space<semaphore_mem>>)
      %ge3A_133 = arith.constant 1 : i32
      %ge3A_134 = arith.cmpi sge, %add3A_118, %ge3A_133 : i32
      %convert_element_type3A_135 = arith.extui %ge3A_134 : i1 to i32
      %cond3A_136 = arith.constant 0 : i32
      %cond3A_137 = arith.cmpi ne, %convert_element_type3A_135, %cond3A_136 : i32
      scf.if %cond3A_137 {
        %sub3A = arith.constant 1 : i32
        %sub3A_145 = arith.subi %add3A_118, %sub3A : i32
        %dma_wait3A_146 = arith.constant 0 : i32
        %dma_wait3A_147 = arith.constant 0 : i32
        %dma_wait3A_148 = tpu.memref_slice %arg4[%add3A, %sub3A_145, %dma_wait3A_146, %dma_wait3A_147] : memref<32x32x32x768xf32, #tpu.memory_space<hbm>> -> memref<1x1x32x768xf32, #tpu.memory_space<hbm>>
        %dma_wait3A_149 = tpu.memref_squeeze %dma_wait3A_148 : memref<1x1x32x768xf32, #tpu.memory_space<hbm>> -> memref<32x768xf32, #tpu.memory_space<hbm>>
        %dma_wait3A_150 = arith.constant 0 : i32
        %dma_wait3A_151 = arith.constant 0 : i32
        %dma_wait3A_152 = tpu.memref_slice %arg4[%add3A, %sub3A_145, %dma_wait3A_150, %dma_wait3A_151] : memref<32x32x32x768xf32, #tpu.memory_space<hbm>> -> memref<1x1x32x768xf32, #tpu.memory_space<hbm>>
        %dma_wait3A_153 = tpu.memref_squeeze %dma_wait3A_152 : memref<1x1x32x768xf32, #tpu.memory_space<hbm>> -> memref<32x768xf32, #tpu.memory_space<hbm>>
        tpu.wait_dma2 semaphore(%arg16 : memref<!tpu.dma_semaphore, #tpu.memory_space<semaphore_mem>>) src(%arg8 : memref<32x768xf32, #tpu.memory_space<vmem>>) dst(%dma_wait3A_153 : memref<32x768xf32, #tpu.memory_space<hbm>>)
      } else {
      }
      %add3A_138 = arith.constant 3 : i32
      %add3A_139 = arith.addi %add3A_118, %add3A_138 : i32
      %lt3A_140 = arith.constant 32 : i32
      %lt3A_141 = arith.cmpi slt, %add3A_139, %lt3A_140 : i32
      %convert_element_type3A_142 = arith.extui %lt3A_141 : i1 to i32
      %cond3A_143 = arith.constant 0 : i32
      %cond3A_144 = arith.cmpi ne, %convert_element_type3A_142, %cond3A_143 : i32
      scf.if %cond3A_144 {
        %add3A_145 = arith.constant 3 : i32
        %add3A_146 = arith.addi %add3A_118, %add3A_145 : i32
        %dma_start3A_147 = arith.constant 0 : i32
        %dma_start3A_148 = tpu.memref_slice %arg5[%add3A_146, %dma_start3A_147] : memref<32x32xi32, #tpu.memory_space<vmem>> -> memref<1x32xi32, #tpu.memory_space<vmem>>
        %dma_start3A_149 = tpu.memref_squeeze %dma_start3A_148 : memref<1x32xi32, #tpu.memory_space<vmem>> -> memref<32xi32, #tpu.memory_space<vmem>>
        %dma_start3A_150 = arith.constant 0 : i32
        %dma_start3A_151 = arith.constant 0 : i32
        %dma_start3A_152 = tpu.memref_slice %arg3[%dma_start3A_150, %dma_start3A_151] : memref<100000x768xf32, #tpu.memory_space<hbm>> -> memref<100000x768xf32, #tpu.memory_space<hbm>>
        tpu.enqueue_indirect_dma source(%dma_start3A_152 : memref<100000x768xf32, #tpu.memory_space<hbm>>) target(%arg8 : memref<32x768xf32, #tpu.memory_space<vmem>>) offsets(%dma_start3A_149 : memref<32xi32, #tpu.memory_space<vmem>>) semaphore(%arg12 : memref<!tpu.dma_semaphore, #tpu.memory_space<semaphore_mem>>)
      } else {
      }
    }
    %scan3A_25 = arith.constant 8 : i32
    %dma_wait3A = arith.constant 31 : i32
    %dma_wait3A_26 = arith.constant 0 : i32
    %dma_wait3A_27 = arith.constant 0 : i32
    %dma_wait3A_28 = tpu.memref_slice %arg4[%add3A, %dma_wait3A, %dma_wait3A_26, %dma_wait3A_27] : memref<32x32x32x768xf32, #tpu.memory_space<hbm>> -> memref<1x1x32x768xf32, #tpu.memory_space<hbm>>
    %dma_wait3A_29 = tpu.memref_squeeze %dma_wait3A_28 : memref<1x1x32x768xf32, #tpu.memory_space<hbm>> -> memref<32x768xf32, #tpu.memory_space<hbm>>
    %dma_wait3A_30 = arith.constant 0 : i32
    %dma_wait3A_31 = arith.constant 0 : i32
    %dma_wait3A_32 = tpu.memref_slice %arg4[%add3A, %dma_wait3A, %dma_wait3A_30, %dma_wait3A_31] : memref<32x32x32x768xf32, #tpu.memory_space<hbm>> -> memref<1x1x32x768xf32, #tpu.memory_space<hbm>>
    %dma_wait3A_33 = tpu.memref_squeeze %dma_wait3A_32 : memref<1x1x32x768xf32, #tpu.memory_space<hbm>> -> memref<32x768xf32, #tpu.memory_space<hbm>>
    tpu.wait_dma2 semaphore(%arg17 : memref<!tpu.dma_semaphore, #tpu.memory_space<semaphore_mem>>) src(%arg9 : memref<32x768xf32, #tpu.memory_space<vmem>>) dst(%dma_wait3A_33 : memref<32x768xf32, #tpu.memory_space<hbm>>)
    return
  }
}

module attributes {stable_mosaic.version = 14 : i64} {
  func.func @_tc_ln_kernel(%arg0: i32, %arg1: memref<2048x768xf32, #tpu.memory_space<vmem>>, %arg2: memref<1x768xf32, #tpu.memory_space<vmem>>, %arg3: memref<1x768xf32, #tpu.memory_space<vmem>>, %arg4: memref<2048x768xf32, #tpu.memory_space<vmem>>) attributes {dimension_semantics = [#tpu.dimension_semantics<parallel>], iteration_bounds = array<i64: 16>, scalar_prefetch = 0 : i64, scratch_operands = 0 : i64, tpu.core_type = #tpu.core_type<tc>, window_params = [{transform_indices = @transform_0, window_bounds = array<i64: 2048, 768>}, {pipeline_mode = #tpu.pipeline_mode<synchronous>, transform_indices = @transform_1, window_bounds = array<i64: 1, 768>}, {pipeline_mode = #tpu.pipeline_mode<synchronous>, transform_indices = @transform_2, window_bounds = array<i64: 1, 768>}, {transform_indices = @transform_3, window_bounds = array<i64: 2048, 768>}]} {
    %get3A = arith.constant 0 : index
    %get3A_0 = arith.constant 0 : index
    %get3A_1 = vector.load %arg1[%get3A, %get3A_0] : memref<2048x768xf32, #tpu.memory_space<vmem>>, vector<2048x768xf32>
    %reduce_sum3A = arith.constant dense<0.000000e+00> : vector<2048xf32>
    %reduce_sum3A_2 = vector.multi_reduction <add>, %get3A_1, %reduce_sum3A [1] : vector<2048x768xf32> to vector<2048xf32>
    %broadcast_in_dim3A = vector.shape_cast %reduce_sum3A_2 : vector<2048xf32> to vector<2048x1xf32>
    %div3A = arith.constant 7.680000e+02 : f32
    %div3A_3 = vector.broadcast %div3A : f32 to vector<2048x1xf32>
    %div3A_4 = arith.divf %broadcast_in_dim3A, %div3A_3 : vector<2048x1xf32>
    %mul3A = arith.mulf %get3A_1, %get3A_1 : vector<2048x768xf32>
    %reduce_sum3A_5 = arith.constant dense<0.000000e+00> : vector<2048xf32>
    %reduce_sum3A_6 = vector.multi_reduction <add>, %mul3A, %reduce_sum3A_5 [1] : vector<2048x768xf32> to vector<2048xf32>
    %broadcast_in_dim3A_7 = vector.shape_cast %reduce_sum3A_6 : vector<2048xf32> to vector<2048x1xf32>
    %div3A_8 = arith.constant 7.680000e+02 : f32
    %div3A_9 = vector.broadcast %div3A_8 : f32 to vector<2048x1xf32>
    %div3A_10 = arith.divf %broadcast_in_dim3A_7, %div3A_9 : vector<2048x1xf32>
    %mul3A_11 = arith.mulf %div3A_4, %div3A_4 : vector<2048x1xf32>
    %sub3A = arith.subf %div3A_10, %mul3A_11 : vector<2048x1xf32>
    %add3A = arith.constant 9.99999996E-13 : f32
    %add3A_12 = vector.broadcast %add3A : f32 to vector<2048x1xf32>
    %add3A_13 = arith.addf %sub3A, %add3A_12 : vector<2048x1xf32>
    %rsqrt3A = math.rsqrt %add3A_13 : vector<2048x1xf32>
    %sub3A_14 = vector.broadcast %div3A_4 : vector<2048x1xf32> to vector<2048x768xf32>
    %sub3A_15 = arith.subf %get3A_1, %sub3A_14 : vector<2048x768xf32>
    %mul3A_16 = vector.broadcast %rsqrt3A : vector<2048x1xf32> to vector<2048x768xf32>
    %mul3A_17 = arith.mulf %sub3A_15, %mul3A_16 : vector<2048x768xf32>
    %get3A_18 = arith.constant 0 : index
    %get3A_19 = arith.constant 0 : index
    %get3A_20 = vector.load %arg2[%get3A_18, %get3A_19] : memref<1x768xf32, #tpu.memory_space<vmem>>, vector<1x768xf32>
    %mul3A_21 = vector.broadcast %get3A_20 : vector<1x768xf32> to vector<2048x768xf32>
    %mul3A_22 = arith.mulf %mul3A_17, %mul3A_21 : vector<2048x768xf32>
    %get3A_23 = arith.constant 0 : index
    %get3A_24 = arith.constant 0 : index
    %get3A_25 = vector.load %arg3[%get3A_23, %get3A_24] : memref<1x768xf32, #tpu.memory_space<vmem>>, vector<1x768xf32>
    %add3A_26 = vector.broadcast %get3A_25 : vector<1x768xf32> to vector<2048x768xf32>
    %add3A_27 = arith.addf %mul3A_22, %add3A_26 : vector<2048x768xf32>
    %swap3A = arith.constant 0 : index
    %swap3A_28 = arith.constant 0 : index
    %swap3A_29 = vector.load %arg4[%swap3A, %swap3A_28] : memref<2048x768xf32, #tpu.memory_space<vmem>>, vector<2048x768xf32>
    tpu.vector_store %arg4[%swap3A, %swap3A_28], %add3A_27 {strides = array<i32>} : memref<2048x768xf32, #tpu.memory_space<vmem>>, vector<2048x768xf32>,
    return
  }
  func.func @transform_0(%arg0: i32) -> (i32, i32) {
    %c0_i32 = arith.constant 0 : i32
    %c0_i32_0 = arith.constant 0 : i32
    return %arg0, %c0_i32 : i32, i32
  }
  func.func @transform_1(%arg0: i32) -> (i32, i32) {
    %c0_i32 = arith.constant 0 : i32
    %c0_i32_0 = arith.constant 0 : i32
    %c0_i32_1 = arith.constant 0 : i32
    return %c0_i32, %c0_i32_0 : i32, i32
  }
  func.func @transform_2(%arg0: i32) -> (i32, i32) {
    %c0_i32 = arith.constant 0 : i32
    %c0_i32_0 = arith.constant 0 : i32
    %c0_i32_1 = arith.constant 0 : i32
    return %c0_i32, %c0_i32_0 : i32, i32
  }
  func.func @transform_3(%arg0: i32) -> (i32, i32) {
    %c0_i32 = arith.constant 0 : i32
    %c0_i32_0 = arith.constant 0 : i32
    return %arg0, %c0_i32 : i32, i32
  }
}

</mosaic_0001>

<sc_bundles>
// kernel: kernel.4.cloned.1.call-start
scs
__scs_entry_jumppad:
0x0: {  	(pc) =	sbr.rel $0x88, $3  }
0x1: {  	(tag) =	ssettag $0x0;
	lr =	simm.s32 $0x1  }
0x2: {  	[smem:$0x3F9D] =	sst lr;
	_ =	strace $0xD0000000  }
0x3: {  	_ = 	snop  }
0x4: {  	_ = 	snop  }
0x5: {  	_ = 	snop  }
0x6: {  	_ = 	snop  }
0x7: {  	_ = 	snop  }
__scs_overlays_trampoline_lowered:
0x8: {  	[smem:$0x3FAC] =	sst s0  }
0x9: {  	[smem:$0x3FAD] =	sst s1  }
0xa: {  	[smem:$0x3FAE] =	sst s2  }
0xb: {  	[smem:$0x3FAF] =	sst s3  }
0xc: {  	[smem:$0x3FB0] =	sst s4  }
0xd: {  	[smem:$0x3FB1] =	sst s5  }
0xe: {  	[smem:$0x3FB2] =	sst s6  }
0xf: {  	[smem:$0x3FB3] =	sst s7  }
0x10: {  	[smem:$0x3FB4] =	sst s8  }
0x11: {  	[smem:$0x3FB5] =	sst s9;
	s0 =	simm.s32 @!p0 $0x0  }
0x12: {  	s1 =	sld [smem:$0x3F9B];
	s0 =	simm.s32 @p0 $0x1  }
0x13: {  	[smem:$0x3FB6] =	sst s0;
	s0 =	simm.s32 @!p1 $0x0  }
0x14: {  	s2 =	sld [smem:$0x3F9A];
	s0 =	simm.s32 @p1 $0x1  }
0x15: {  	[smem:$0x3FB7] =	sst s0;
	s0 =	simm.s32 @!p2 $0x0  }
0x16: {  	s3 =	sld [smem:$0x3FDB];
	s0 =	simm.s32 @p2 $0x1  }
0x17: {  	s4 =	simm.s32 $0x1BF5;
	[smem:$0x3FB9] =	sst s0  }
0x18: {  	s0 =	sld [smem:$0x3F9C];
	_ =	swait.ge [sflag:s4], $0x0  }
0x19: {  	s7 =	sld [smem:$0x3F9D]  }
0x1a: {  	s8 =	sadd.s32 $0xFFFFE003, lr  }
0x1b: {  	s9 =	sadd.s32 $0xFFFFFEF7, lr;
	s5 =	simm.s32 $0xFFFFFFFF;
	p2 =	slt.u32 s8, $0xFFFFF086  }
0x1c: {  	p1 =	slt.u32 s9, $0xF7A;
	s5 =	simm.s32 @!p2 $0x0  }
0x1d: {  	s5 =	simm.s32 @p1 $0x1;
	p0 =	seq.s32 s7, s2  }
0x1e: {  	s7 =	smul.u32 @!p0 $0xF7A, s2;
	p2 =	seq.s32 @!p0 s5, $0x0  }
0x1f: {  	s9 =	smul.u32 $0xF7A, s1;
	s8 =	simm.s32 @!p0 $0x1BF5;
	p2 =	por !p2, p0  }
0x20: {  	[sflag:s8] =	ssyncset.s32 @!p0 $0xFFFFF086;
	s6 =	sadd.s32 @!p0 s3, s7;
	s7 =	simm.s32 @!p0 $0x108  }
0x21: {  	s3 =	sadd.s32 s3, s9;
	s6 =	sadd.s32 @!p0 $0x88, s6;
	s7 =	simm.s32 @p2 $0x1082  }
0x22: {  	[simem:s7], [sflag:s8] =	dma.local @!p0 [hbm:s6], $0xF7A  }
0x23: {  	s9 =	sor.u32 $0xD0000000, s2;
	s6 =	simm.s32 $0x108;
	_ =	swait.ge @!p0 [sflag:s8], $0x0  }
0x24: {  	s3 =	sadd.s32 $0x88, s3;
	s6 =	simm.s32 @!p1 $0x1082;
	[sflag:s4] =	ssyncset.s32 $0xFFFFF086  }
0x25: {  	[simem:s6], [sflag:s4] =	dma.local [hbm:s3], $0xF7A  }
0x26: {  	[smem:$0x3F9D] =	sst s1;
	(tag) =	ssettag s2;
	_ =	strace s9  }
0x27: {  	s1 =	sld [smem:$0x3FAD]  }
0x28: {  	s2 =	sld [smem:$0x3FAE]  }
0x29: {  	s4 =	sld [smem:$0x3FB0]  }
0x2a: {  	p0 =	seq.s32 s5, $0x0;
	s5 =	sld [smem:$0x3FB1]  }
0x2b: {  	s6 =	sld [smem:$0x3FB2]  }
0x2c: {  	s7 =	sld [smem:$0x3FB3]  }
0x2d: {  	s3 =	simm.s32 $0x108;
	s8 =	sld [smem:$0x3FB4]  }
0x2e: {  	s3 =	simm.s32 @!p0 $0x1082;
	s9 =	sld [smem:$0x3FB5]  }
0x2f: {  	lr =	sadd.s32 s0, s3;
	s0 =	sld [smem:$0x3FAC]  }
0x30: {  	s3 =	sld [smem:$0x3FAF]  }
0x31: {  	[smem:$0x3FB8] =	sst s10  }
0x32: {  	s10 =	sld [smem:$0x3FB6];
	_ =	sdelay $0x3  }
0x33: {  	p0 =	seq.s32 s10, $0x1;
	s10 =	sld [smem:$0x3FB8];
	_ =	sdelay $0x3  }
0x34: {  	[smem:$0x3FB8] =	sst s10  }
0x35: {  	s10 =	sld [smem:$0x3FB7];
	_ =	sdelay $0x3  }
0x36: {  	p1 =	seq.s32 s10, $0x1;
	s10 =	sld [smem:$0x3FB8];
	_ =	sdelay $0x3  }
0x37: {  	[smem:$0x3FB8] =	sst s10  }
0x38: {  	s10 =	sld [smem:$0x3FB9]  }
0x39: {  	_ = 	snop;
	(pc) =	sbr.ind lr, $3  }
0x3a: {  	_ = 	snop  }
0x3b: {  	_ = 	snop  }
0x3c: {  	p2 =	seq.s32 s10, $0x1;
	s10 =	sld [smem:$0x3FB8]  }
0x3d: {  	_ =	shalt  }
0x3e: {  	_ =	shalt  }
0x3f: {  	_ =	shalt  }
0x40: {  	_ =	shalt  }
0x41: {  	_ =	shalt  }
0x42: {  	_ =	shalt  }
0x43: {  	_ =	shalt  }
0x44: {  	_ =	shalt  }
0x45: {  	_ =	shalt  }
0x46: {  	_ =	shalt  }
0x47: {  	_ =	shalt  }
0x48: {  	_ =	shalt  }
0x49: {  	_ =	shalt  }
0x4a: {  	_ =	shalt  }
0x4b: {  	_ =	shalt  }
0x4c: {  	_ =	shalt  }
0x4d: {  	_ =	shalt  }
0x4e: {  	_ =	shalt  }
0x4f: {  	_ =	shalt  }
0x50: {  	_ =	shalt  }
0x51: {  	_ =	shalt  }
0x52: {  	_ =	shalt  }
0x53: {  	_ =	shalt  }
0x54: {  	_ =	shalt  }
0x55: {  	_ =	shalt  }
0x56: {  	_ =	shalt  }
0x57: {  	_ =	shalt  }
0x58: {  	_ =	shalt  }
0x59: {  	_ =	shalt  }
0x5a: {  	_ =	shalt  }
0x5b: {  	_ =	shalt  }
0x5c: {  	_ =	shalt  }
0x5d: {  	_ =	shalt  }
0x5e: {  	_ =	shalt  }
0x5f: {  	_ =	shalt  }
0x60: {  	_ =	shalt  }
0x61: {  	_ =	shalt  }
0x62: {  	_ =	shalt  }
0x63: {  	_ =	shalt  }
0x64: {  	_ =	shalt  }
0x65: {  	_ =	shalt  }
0x66: {  	_ =	shalt  }
0x67: {  	_ =	shalt  }
0x68: {  	_ =	shalt  }
0x69: {  	_ =	shalt  }
0x6a: {  	_ =	shalt  }
0x6b: {  	_ =	shalt  }
0x6c: {  	_ =	shalt  }
0x6d: {  	_ =	shalt  }
0x6e: {  	_ =	shalt  }
0x6f: {  	_ =	shalt  }
0x70: {  	_ =	shalt  }
0x71: {  	_ =	shalt  }
0x72: {  	_ =	shalt  }
0x73: {  	_ =	shalt  }
0x74: {  	_ =	shalt  }
0x75: {  	_ =	shalt  }
0x76: {  	_ =	shalt  }
0x77: {  	_ =	shalt  }
0x78: {  	_ =	shalt  }
0x79: {  	_ =	shalt  }
0x7a: {  	_ =	shalt  }
0x7b: {  	_ =	shalt  }
0x7c: {  	_ =	shalt  }
0x7d: {  	_ =	shalt  }
0x7e: {  	_ =	shalt  }
0x7f: {  	_ =	shalt  }
0x80: {  	_ =	shalt  }
0x81: {  	_ =	shalt  }
0x82: {  	_ =	shalt  }
0x83: {  	_ =	shalt  }
0x84: {  	_ =	shalt  }
0x85: {  	_ =	shalt  }
0x86: {  	_ =	shalt  }
0x87: {  	_ =	shalt  }
.Lfunc_end0:
.L_simem_size_0:
called_computation_lowered:
.L_overlay_start_0:
0x88: {  	s2 =	sld [smem:$0x3FD9]  }
0x89: {  	s3 =	sld [smem:$0x3FFE];
	_ =	sdelay $0x1  }
0x8a: {  	s1 =	srdreg.scid  }
0x8b: {  	s0 =	sand.u32 $0x1, s1  }
0x8c: {  	s17 =	sshll.u32 s0, $0xA;
	s2 =	sadd.s32 s3, s2  }
0x8d: {  	s2 =	sadd.s32 s2, s17  }
0x8e: {  	[smem:$0x3FC4] =	sst s2  }
0x8f: {  	_ = 	snop  }
0x90: {  	s2 =	sld [smem:$0x3FC8]  }
0x91: {  	s18 =	sld [smem:$0x3FD0];
	(tm) =	ssettm $0x1  }
0x92: {  	s4 =	sld [smem:$0x3FFB];
	_ =	sdelay $0x3  }
0x93: {  	_ =	strace s4  }
0x94: {  	s4 =	sld [smem:$0x3FFC];
	_ =	sdelay $0x3  }
0x95: {  	_ =	strace s4  }
0x96: {  	s4 =	sld [smem:$0x3FFD];
	_ =	sdelay $0x3  }
0x97: {  	_ =	strace s4  }
0x98: {  	_ =	strace $0x8FFFFFFF  }
0x99: {  	s19 =	sld [smem:$0x3FDB];
	_ =	sdelay $0x1  }
0x9a: {  	s5 =	simm.s32 $_scs_section_size  }
0x9b: {  	s6 =	simm.s32 $_size__tile_overlayer_lowered;
	s7 =	simm.s32 $_tile_overlayer_lowered  }
0x9c: {  	s22 =	simm.s32 $0x1BFF;
	s21 =	sshll.u32 s7, $0x1;
	s4 =	sadd.s32 s5, s19  }
0x9d: {  	s8 =	simm.s32 $0x0;
	s20 =	sshll.u32 s6, $0x1;
	s6 =	sadd.s32 s21, s4  }
0x9e: {  	[timem:s8], [sflag:s22] =	dma.local [hbm:s6], s20  }
0x9f: {  	_ =	swait.ge [sflag:s22], s20  }
0xa0: {  	s5 =	ssub.s32 $0x0, s20;
	[sflag:s22] =	ssyncset.done $0x0  }
0xa1: {  	[sflag:s22] =	ssyncadd.s32 s5;
	_ =	sdelay $0x1  }
0xa2: {  	s23 =	simm.s32 $0x1B8B  }
0xa3: {  	_ =	swait.ge [sflag:s23], $0x1  }
0xa4: {  	[sflag:s23] =	ssyncset.done $0x0  }
0xa5: {  	s25 =	simm.s32 $0x1B8E;
	s24 =	sld [smem:$0x3FFE];
	[sflag:s23] =	ssyncadd.s32 $0xFFFFFFFF  }
0xa6: {  	s26 =	simm.s32 $execute0_lowered;
	[smem:$0x3FD2] =	sst s25  }
0xa7: {  	s6 =	sshll.u32 s26, $0x1;
	_ =	strace $0x80000046;
	[dreg:$0x1] =	wrdreg $0xFFFFFFFF  }
0xa8: {  	s28 =	simm.s32 $_size_execute0_lowered;
	s4 =	sadd.s32 s4, s6;
	[dreg:$0x0] =	wrdreg $0x0  }
0xa9: {  	s6 =	sshll.u32 s28, $0x1;
	[dreg:$0x2] =	wrdreg s4  }
0xaa: {  	[dreg:$0x3] =	wrdreg s6  }
0xab: {  	[dreg:$0x4] =	wrdreg $0xC0  }
0xac: {  	_ =	task [dreg:s8], $0x5FFFF  }
0xad: {  	[dreg:$0x1] =	wrdreg $0xFFFFFFFF  }
0xae: {  	[dreg:$0x0] =	wrdreg $0x60  }
0xaf: {  	[dreg:$0x2] =	wrdreg s18  }
0xb0: {  	[dreg:$0x3] =	wrdreg s2  }
0xb1: {  	[dreg:$0x4] =	wrdreg s24  }
0xb2: {  	[dreg:$0x5] =	wrdreg $0x9  }
0xb3: {  	_ =	task.clear_ibuf [dreg:s8], $0x6FFFF;
	_ =	strace $0x90000046  }
0xb4: {  	s29 =	simm.s32 $0x9;
	_ =	strace $0x80000048  }
0xb5: {  	_ =	swait.ge [sflag:s29], $0x1  }
0xb6: {  	[sflag:s29] =	ssyncadd.s32 $0xFFFFFFFF  }
0xb7: {  	_ =	strace $0x90000048  }
0xb8: {  	_ =	sfence  }
0xb9: {  	s30 =	sld [smem:$0x0];
	_ =	sdelay $0x2  }
0xba: {  	s31 =	sshll.u32 s1, $0xD;
	s1 =	sshrl.u32 s1, $0x2  }
0xbb: {  	s3 =	sand.u32 $0x4000, s31;
	s1 =	sadd.s32 s1, s30  }
0xbc: {  	s0 =	sor.u32 s3, s0;
	s1 =	sshll.u32 s1, $0x11  }
0xbd: {  	s0 =	sor.u32 s1, s0  }
0xbe: {  	s0 =	sadd.s32 $0x8F2B, s0  }
0xbf: {  	[sflag:s0] =	ssyncadd.remote.s32 $0x1  }
0xc0: {  	_ =	sfence.sel $0xFFFF  }
0xc1: {  	[dreg:$0x0] =	wrdreg $0xFFFFFFFF;
	(pc) =	sbr.abs _section_cstart, $3  }
0xc2: {  	[dreg:$0x1] =	wrdreg $0xFFFFFFFF  }
0xc3: {  	_ =	task.clear_ibuf [dreg:s8], $0x2FFFF;
	_ =	strace $0x9FFFFFFF  }
0xc4: {  	(tm) =	ssettm $0x7FFFFFFF  }
0xc5: {  	_ =	shalt  }
tec
execute0_lowered:
.L_overlay_start_1:
0x0: {  	(tag) =	ssettag $0x1  }
0x1: {  	s0 =	rddreg [dreg:$0x0]  }
0x2: {  	s2 =	rddreg [dreg:$0x1]  }
0x3: {  	s1 =	rddreg [dreg:$0x2]  }
0x4: {  	s4 =	srdreg.scid;
	s9 =	stileid.u32;
	s3 =	simm.s32 $0x0  }
0x5: {  	s18 =	simm.s32 $0xD000;
	s15 =	simm.s32 $0x14000;
	s16 =	simm.s32 $0x14800  }
0x6: {  	s17 =	simm.s32 $0x15000;
	s12 =	simm.s32 $0x16800;
	s13 =	simm.s32 $0x17000  }
0x7: {  	s19 =	simm.s32 $0x18000;
	s20 =	simm.s32 $0x18800;
	s21 =	simm.s32 $0x2  }
0x8: {  	s28 =	simm.s32 $0x7;
	s30 =	simm.s32 $0x0;
	s4 =	sand.u32 $0x1, s4  }
0x9: {  	s5 =	smul.u32 $0x180000, s9;
	[smem:$0x7FF] =	sst s3;
	s1 =	sadd.s32 $0x800, s1  }
0xa: {  	s9 =	sshll.u32 s9, $0xA;
	s6 =	ssub.s32 $0x2, s4;
	s7 =	smul.u32 $0xC0000, s4  }
0xb: {  	_ =	strace $0x80000047;
	s4 =	sshll.u32 s4, $0x9;
	s8 =	sshrl.u32 s6, $0x1  }
0xc: {  	s4 =	sor.u32 s4, s9;
	s7 =	sadd.s32 s7, s5;
	s8 =	ssub.s32 s6, s8  }
0xd: {  	s0 =	sadd.s32 s0, s4;
	s5 =	sadd.s32 $0x100, s2;
	s6 =	sadd.s32 $0x200, s2  }
0xe: {  	s4 =	simm.s32 $0x15800;
	s22 =	sor.u32 $0x12000, s7;
	[dreg:$0x4] =	wrdreg s0  }
0xf: {  	s24 =	smax.u32 s8, $0x1;
	s25 =	sshrl.u32 s7, $0x3;
	s26 =	sor.u32 $0x6000, s7  }
0x10: {  	s7 =	sor.u32 $0xC000, s7;
	s0 =	simm.s32 $0x1;
	s23 =	sshrl.u32 s22, $0x3  }
.Ltmp0:
0x11: {  	[dreg:$0x5] =	wrdreg s24;
	s9 =	sadd.s32 s25, s1;
	(pc) =	sbr.rel .LBB2_1-.Ltmp0, $4  }
0x12: {  	s29 =	sshrl.u32 s26, $0x3;
	s31 =	sshrl.u32 s7, $0x3;
	s7 =	simm.s32 $0x16000  }
0x13: {  	v2 =	vlaneseq.u32;
	s25 =	simm.s32 $0x17800;
	s22 =	simm.s32 $0x5;
	s24 =	simm.s32 $0x6  }
0x14: {  	vm0 =	vmmov $0xffff;
	v1 =	vshrl.u32 v2, $0x3;
	s26 =	simm.s32 $0x4;
	s8 =	sadd.s32 s23, s1;
	s10 =	sadd.s32 s29, s1  }
0x15: {  	v0 =	vand.u32 $0x7, v2;
	v2 =	vor.u32 $0x8, v2;
	v1 =	vmul.u32 $0x8, v1;
	s11 =	sadd.s32 s31, s1;
	s1 =	simm.s32 $0x13000;
	s23 =	simm.s32 $0x3  }
.LBB2_4:
0x16: {  	s29 =	simm.s32 $0x8  }
0x17: {  	_ =	swait.ge [sflag:s29], $0x6000  }
0x18: {  	s30 =	rddreg [dreg:$0x6]  }
0x19: {  	s14 =	rddreg [dreg:$0x5];
	s30 =	sadd.s32 $0x1, s30  }
0x1a: {  	p0 =	sne.s32 s30, s14  }
.Ltmp1:
0x1b: {  	_ = 	snop;
	(pc) =	sbr.rel @!p0 .LBB2_5-.Ltmp1, $3  }
0x1c: {  	_ =	sdelay $0x1  }
0x1d: {  	[sflag:s29] =	ssyncset.done $0x0  }
0x1e: {  	[sflag:s29] =	ssyncadd.s32 $0xFFFFA000  }
.LBB2_1:
0x1f: {  	[dreg:$0x6] =	wrdreg s30  }
0x20: {  	s14 =	rddreg [dreg:$0x4];
	s31 =	simm.s32 $0x9  }
0x21: {  	[tilespmem:s3], [sflag:$0x9] =	stream.linear.gather [hbm4b:s14+s3], $0x1000, $0x38;
	[tilespmem:$0x19000] =	vst v63  }
0x22: {  	_ =	swait.ge [sflag:s31], $0x1000  }
0x23: {  	[sflag:s31] =	ssyncset.done $0x0  }
0x24: {  	[sflag:s31] =	ssyncadd.s32 $0xFFFFF000  }
0x25: {  	v3 =	vld [tilespmem:$0x0];
	_ =	sdelay $0x4  }
0x26: {  	v4 =	vshrl.u32 v3, $0x3  }
0x27: {  	v4 =	vmul.u32 $0x30, v4  }
0x28: {  	v3 =	vand.u32 $0x7, v3  }
0x29: {  	v3 =	vor.u32 v3, v4  }
0x2a: {  	v4 =	vperm.xlane v3, v0;
	_ =	sdelay $0x1  }
0x2b: {  	v4 =	vadd.s32 v1, v4;
	_ =	sdelay $0x3  }
0x2c: {  	s31 =	simm.s32 $0x1000;
	v3 =	vperm.xlane v3, v2  }
0x2d: {  	[tilespmem:s31], [sflag:$0x1] =	stream.indirect_vreg.gather [hbm4b:s2+s3], $0x80, v4, vm0, $0xb8;
	[tilespmem:$0x19000] =	vst v63  }
0x2e: {  	v3 =	vadd.s32 v1, v3;
	s31 =	simm.s32 $0x1800  }
0x2f: {  	[tilespmem:s31], [sflag:$0x1] =	stream.indirect_vreg.gather [hbm4b:s5+s3], $0x80, v4, vm0, $0xb8;
	[tilespmem:$0x19000] =	vst v63  }
0x30: {  	s31 =	simm.s32 $0x2000  }
0x31: {  	[tilespmem:s31], [sflag:$0x1] =	stream.indirect_vreg.gather [hbm4b:s6+s3], $0x80, v4, vm0, $0xb8;
	[tilespmem:$0x19000] =	vst v63  }
0x32: {  	s31 =	simm.s32 $0x2800  }
0x33: {  	[tilespmem:s31], [sflag:$0x1] =	stream.indirect_vreg.gather [hbm4b:s2+s3], $0x80, v3, vm0, $0xb8;
	[tilespmem:$0x19000] =	vst v63  }
0x34: {  	s31 =	simm.s32 $0x3000  }
0x35: {  	[tilespmem:s31], [sflag:$0x1] =	stream.indirect_vreg.gather [hbm4b:s5+s3], $0x80, v3, vm0, $0xb8;
	[tilespmem:$0x19000] =	vst v63  }
0x36: {  	s31 =	simm.s32 $0x3800  }
0x37: {  	[tilespmem:s31], [sflag:$0x1] =	stream.indirect_vreg.gather [hbm4b:s6+s3], $0x80, v3, vm0, $0xb8;
	[tilespmem:$0x19000] =	vst v63  }
0x38: {  	v3 =	vld [tilespmem:$0x10];
	_ =	sdelay $0x4  }
0x39: {  	v59 =	vshrl.u32 v3, $0x3  }
0x3a: {  	v4 =	vmul.u32 $0x30, v59  }
0x3b: {  	v3 =	vand.u32 $0x7, v3  }
0x3c: {  	v3 =	vor.u32 v3, v4  }
0x3d: {  	v4 =	vperm.xlane v3, v0;
	_ =	sdelay $0x1  }
0x3e: {  	v4 =	vadd.s32 v1, v4;
	_ =	sdelay $0x3  }
0x3f: {  	s31 =	simm.s32 $0x4000;
	v3 =	vperm.xlane v3, v2  }
0x40: {  	[tilespmem:s31], [sflag:$0x1] =	stream.indirect_vreg.gather [hbm4b:s2+s3], $0x80, v4, vm0, $0xb8;
	[tilespmem:$0x19000] =	vst v63  }
0x41: {  	v3 =	vadd.s32 v1, v3;
	s31 =	simm.s32 $0x4800  }
0x42: {  	[tilespmem:s31], [sflag:$0x1] =	stream.indirect_vreg.gather [hbm4b:s5+s3], $0x80, v4, vm0, $0xb8;
	[tilespmem:$0x19000] =	vst v63  }
0x43: {  	s31 =	simm.s32 $0x5000  }
0x44: {  	[tilespmem:s31], [sflag:$0x1] =	stream.indirect_vreg.gather [hbm4b:s6+s3], $0x80, v4, vm0, $0xb8;
	[tilespmem:$0x19000] =	vst v63  }
0x45: {  	s31 =	simm.s32 $0x5800  }
0x46: {  	[tilespmem:s31], [sflag:$0x1] =	stream.indirect_vreg.gather [hbm4b:s2+s3], $0x80, v3, vm0, $0xb8;
	[tilespmem:$0x19000] =	vst v63  }
0x47: {  	s31 =	simm.s32 $0x6000  }
0x48: {  	[tilespmem:s31], [sflag:$0x1] =	stream.indirect_vreg.gather [hbm4b:s5+s3], $0x80, v3, vm0, $0xb8;
	[tilespmem:$0x19000] =	vst v63  }
0x49: {  	s31 =	simm.s32 $0x6800  }
0x4a: {  	[tilespmem:s31], [sflag:$0x1] =	stream.indirect_vreg.gather [hbm4b:s6+s3], $0x80, v3, vm0, $0xb8;
	[tilespmem:$0x19000] =	vst v63  }
0x4b: {  	v3 =	vld [tilespmem:$0x80];
	_ =	sdelay $0x4  }
0x4c: {  	v60 =	vshrl.u32 v3, $0x3  }
0x4d: {  	v4 =	vmul.u32 $0x30, v60  }
0x4e: {  	v3 =	vand.u32 $0x7, v3  }
0x4f: {  	v3 =	vor.u32 v3, v4  }
0x50: {  	v4 =	vperm.xlane v3, v0;
	_ =	sdelay $0x1  }
0x51: {  	v4 =	vadd.s32 v1, v4;
	_ =	sdelay $0x3  }
0x52: {  	s31 =	simm.s32 $0x7000;
	v3 =	vperm.xlane v3, v2  }
0x53: {  	[tilespmem:s31], [sflag:$0x2] =	stream.indirect_vreg.gather [hbm4b:s2+s3], $0x80, v4, vm0, $0xb8;
	[tilespmem:$0x19000] =	vst v63  }
0x54: {  	v3 =	vadd.s32 v1, v3;
	s31 =	simm.s32 $0x7800  }
0x55: {  	[tilespmem:s31], [sflag:$0x2] =	stream.indirect_vreg.gather [hbm4b:s5+s3], $0x80, v4, vm0, $0xb8;
	[tilespmem:$0x19000] =	vst v63  }
0x56: {  	s31 =	simm.s32 $0x8000  }
0x57: {  	[tilespmem:s31], [sflag:$0x2] =	stream.indirect_vreg.gather [hbm4b:s6+s3], $0x80, v4, vm0, $0xb8;
	[tilespmem:$0x19000] =	vst v63  }
0x58: {  	s31 =	simm.s32 $0x8800  }
0x59: {  	[tilespmem:s31], [sflag:$0x2] =	stream.indirect_vreg.gather [hbm4b:s2+s3], $0x80, v3, vm0, $0xb8;
	[tilespmem:$0x19000] =	vst v63  }
0x5a: {  	s31 =	simm.s32 $0x9000  }
0x5b: {  	[tilespmem:s31], [sflag:$0x2] =	stream.indirect_vreg.gather [hbm4b:s5+s3], $0x80, v3, vm0, $0xb8;
	[tilespmem:$0x19000] =	vst v63  }
0x5c: {  	s31 =	simm.s32 $0x9800  }
0x5d: {  	[tilespmem:s31], [sflag:$0x2] =	stream.indirect_vreg.gather [hbm4b:s6+s3], $0x80, v3, vm0, $0xb8;
	[tilespmem:$0x19000] =	vst v63  }
0x5e: {  	v3 =	vld [tilespmem:$0x90];
	_ =	sdelay $0x4  }
0x5f: {  	v61 =	vshrl.u32 v3, $0x3  }
0x60: {  	v4 =	vmul.u32 $0x30, v61  }
0x61: {  	v3 =	vand.u32 $0x7, v3  }
0x62: {  	v3 =	vor.u32 v3, v4  }
0x63: {  	v4 =	vperm.xlane v3, v0;
	_ =	sdelay $0x1  }
0x64: {  	v4 =	vadd.s32 v1, v4;
	_ =	sdelay $0x3  }
0x65: {  	s31 =	simm.s32 $0xA000;
	v3 =	vperm.xlane v3, v2  }
0x66: {  	[tilespmem:s31], [sflag:$0x2] =	stream.indirect_vreg.gather [hbm4b:s2+s3], $0x80, v4, vm0, $0xb8;
	[tilespmem:$0x19000] =	vst v63  }
0x67: {  	v3 =	vadd.s32 v1, v3;
	s31 =	simm.s32 $0xA800  }
0x68: {  	[tilespmem:s31], [sflag:$0x2] =	stream.indirect_vreg.gather [hbm4b:s5+s3], $0x80, v4, vm0, $0xb8;
	[tilespmem:$0x19000] =	vst v63  }
0x69: {  	s31 =	simm.s32 $0xB000  }
0x6a: {  	[tilespmem:s31], [sflag:$0x2] =	stream.indirect_vreg.gather [hbm4b:s6+s3], $0x80, v4, vm0, $0xb8;
	[tilespmem:$0x19000] =	vst v63  }
0x6b: {  	s31 =	simm.s32 $0xB800  }
0x6c: {  	[tilespmem:s31], [sflag:$0x2] =	stream.indirect_vreg.gather [hbm4b:s2+s3], $0x80, v3, vm0, $0xb8;
	[tilespmem:$0x19000] =	vst v63  }
0x6d: {  	s31 =	simm.s32 $0xC000  }
0x6e: {  	[tilespmem:s31], [sflag:$0x2] =	stream.indirect_vreg.gather [hbm4b:s5+s3], $0x80, v3, vm0, $0xb8;
	[tilespmem:$0x19000] =	vst v63  }
0x6f: {  	s31 =	simm.s32 $0xC800  }
0x70: {  	[tilespmem:s31], [sflag:$0x2] =	stream.indirect_vreg.gather [hbm4b:s6+s3], $0x80, v3, vm0, $0xb8;
	[tilespmem:$0x19000] =	vst v63  }
0x71: {  	v3 =	vld [tilespmem:$0x100];
	_ =	sdelay $0x4  }
0x72: {  	v62 =	vshrl.u32 v3, $0x3  }
0x73: {  	v4 =	vmul.u32 $0x30, v62  }
0x74: {  	v3 =	vand.u32 $0x7, v3  }
0x75: {  	v3 =	vor.u32 v3, v4  }
0x76: {  	v4 =	vperm.xlane v3, v0;
	_ =	sdelay $0x1  }
0x77: {  	v4 =	vadd.s32 v1, v4;
	_ =	sdelay $0x3  }
0x78: {  	v3 =	vperm.xlane v3, v2  }
0x79: {  	[tilespmem:s18], [sflag:$0x3] =	stream.indirect_vreg.gather [hbm4b:s2+s3], $0x80, v4, vm0, $0xb8;
	[tilespmem:$0x19000] =	vst v63  }
0x7a: {  	s31 =	simm.s32 $0xD800;
	v3 =	vadd.s32 v1, v3  }
0x7b: {  	[tilespmem:s31], [sflag:$0x3] =	stream.indirect_vreg.gather [hbm4b:s5+s3], $0x80, v4, vm0, $0xb8;
	[tilespmem:$0x19000] =	vst v63  }
0x7c: {  	s31 =	simm.s32 $0xE000  }
0x7d: {  	[tilespmem:s31], [sflag:$0x3] =	stream.indirect_vreg.gather [hbm4b:s6+s3], $0x80, v4, vm0, $0xb8;
	[tilespmem:$0x19000] =	vst v63  }
0x7e: {  	s31 =	simm.s32 $0xE800  }
0x7f: {  	[tilespmem:s31], [sflag:$0x3] =	stream.indirect_vreg.gather [hbm4b:s2+s3], $0x80, v3, vm0, $0xb8;
	[tilespmem:$0x19000] =	vst v63  }
0x80: {  	s31 =	simm.s32 $0xF000  }
0x81: {  	[tilespmem:s31], [sflag:$0x3] =	stream.indirect_vreg.gather [hbm4b:s5+s3], $0x80, v3, vm0, $0xb8;
	[tilespmem:$0x19000] =	vst v63  }
0x82: {  	s31 =	simm.s32 $0xF800  }
0x83: {  	[tilespmem:s31], [sflag:$0x3] =	stream.indirect_vreg.gather [hbm4b:s6+s3], $0x80, v3, vm0, $0xb8;
	[tilespmem:$0x19000] =	vst v63  }
0x84: {  	v3 =	vld [tilespmem:$0x110];
	_ =	sdelay $0x4  }
0x85: {  	v63 =	vshrl.u32 v3, $0x3  }
0x86: {  	v4 =	vmul.u32 $0x30, v63  }
0x87: {  	v3 =	vand.u32 $0x7, v3  }
0x88: {  	v3 =	vor.u32 v3, v4  }
0x89: {  	v4 =	vperm.xlane v3, v0;
	_ =	sdelay $0x1  }
0x8a: {  	v4 =	vadd.s32 v1, v4;
	_ =	sdelay $0x3  }
0x8b: {  	s31 =	simm.s32 $0x10000;
	v3 =	vperm.xlane v3, v2  }
0x8c: {  	[tilespmem:s31], [sflag:$0x3] =	stream.indirect_vreg.gather [hbm4b:s2+s3], $0x80, v4, vm0, $0xb8;
	[tilespmem:$0x19000] =	vst v63  }
0x8d: {  	v3 =	vadd.s32 v1, v3;
	s31 =	simm.s32 $0x10800  }
0x8e: {  	[tilespmem:s31], [sflag:$0x3] =	stream.indirect_vreg.gather [hbm4b:s5+s3], $0x80, v4, vm0, $0xb8;
	[tilespmem:$0x19000] =	vst v63  }
0x8f: {  	s31 =	simm.s32 $0x11000  }
0x90: {  	[tilespmem:s31], [sflag:$0x3] =	stream.indirect_vreg.gather [hbm4b:s6+s3], $0x80, v4, vm0, $0xb8;
	[tilespmem:$0x19000] =	vst v63  }
0x91: {  	s31 =	simm.s32 $0x11800  }
0x92: {  	[tilespmem:s31], [sflag:$0x3] =	stream.indirect_vreg.gather [hbm4b:s2+s3], $0x80, v3, vm0, $0xb8;
	[tilespmem:$0x19000] =	vst v63  }
0x93: {  	s31 =	simm.s32 $0x12000  }
0x94: {  	[tilespmem:s31], [sflag:$0x3] =	stream.indirect_vreg.gather [hbm4b:s5+s3], $0x80, v3, vm0, $0xb8;
	[tilespmem:$0x19000] =	vst v63  }
0x95: {  	s29 =	simm.s32 $0x190;
	s30 =	simm.s32 $0x0;
	s31 =	simm.s32 $0x12800  }
0x96: {  	[tilespmem:s31], [sflag:$0x3] =	stream.indirect_vreg.gather [hbm4b:s6+s3], $0x80, v3, vm0, $0xb8;
	[tilespmem:$0x19000] =	vst v63  }
.LBB2_2:
0x97: {  	_ =	swait.ge [sflag:s0], $0x6000  }
0x98: {  	s31 =	sadd.s32 s30, s9;
	[sflag:s0] =	ssyncset.done $0x0  }
0x99: {  	s14 =	simm.s32 $0x1000;
	p0 =	seq.s32 s30, $0x0;
	[sflag:s0] =	ssyncadd.s32 $0xFFFFA000  }
0x9a: {  	[hbm4b:s31+s3] =	stream.linear.scatter [tilespmem:s14], [sflag:$0x5], $0x6000, $0x38;
	[tilespmem:$0x19000] =	vst v63  }
0x9b: {  	s31 =	simm.s32 @!p0 $0x8  }
0x9c: {  	_ =	swait.ge @!p0 [sflag:s31], $0x6000  }
0x9d: {  	[sflag:s31] =	ssyncset.done @!p0 $0x0  }
0x9e: {  	[sflag:s31] =	ssyncadd.s32 @!p0 $0xFFFFA000  }
0x9f: {  	v3 =	vld [tilespmem:s29+$0xFFFFFFF0];
	_ =	sdelay $0x4  }
0xa0: {  	v4 =	vshrl.u32 v3, $0x3  }
0xa1: {  	v4 =	vmul.u32 $0x30, v4  }
0xa2: {  	v3 =	vand.u32 $0x7, v3  }
0xa3: {  	v3 =	vor.u32 v3, v4  }
0xa4: {  	v4 =	vperm.xlane v3, v0;
	_ =	sdelay $0x1  }
0xa5: {  	v4 =	vadd.s32 v1, v4;
	_ =	sdelay $0x3  }
0xa6: {  	v3 =	vperm.xlane v3, v2  }
0xa7: {  	[tilespmem:s1], [sflag:$0x4] =	stream.indirect_vreg.gather [hbm4b:s2+s3], $0x80, v4, vm0, $0xb8;
	[tilespmem:$0x19000] =	vst v63  }
0xa8: {  	s31 =	simm.s32 $0x13800;
	v3 =	vadd.s32 v1, v3  }
0xa9: {  	[tilespmem:s31], [sflag:$0x4] =	stream.indirect_vreg.gather [hbm4b:s5+s3], $0x80, v4, vm0, $0xb8;
	[tilespmem:$0x19000] =	vst v63  }
0xaa: {  	_ = 	snop  }
0xab: {  	[tilespmem:s15], [sflag:$0x4] =	stream.indirect_vreg.gather [hbm4b:s6+s3], $0x80, v4, vm0, $0xb8;
	[tilespmem:$0x19000] =	vst v63  }
0xac: {  	_ = 	snop  }
0xad: {  	[tilespmem:s16], [sflag:$0x4] =	stream.indirect_vreg.gather [hbm4b:s2+s3], $0x80, v3, vm0, $0xb8;
	[tilespmem:$0x19000] =	vst v63  }
0xae: {  	_ = 	snop  }
0xaf: {  	[tilespmem:s17], [sflag:$0x4] =	stream.indirect_vreg.gather [hbm4b:s5+s3], $0x80, v3, vm0, $0xb8;
	[tilespmem:$0x19000] =	vst v63  }
0xb0: {  	_ = 	snop  }
0xb1: {  	[tilespmem:s4], [sflag:$0x4] =	stream.indirect_vreg.gather [hbm4b:s6+s3], $0x80, v3, vm0, $0xb8;
	[tilespmem:$0x19000] =	vst v63  }
0xb2: {  	v3 =	vld [tilespmem:s29+$0x0];
	_ =	sdelay $0x4  }
0xb3: {  	v63 =	vshrl.u32 v3, $0x3  }
0xb4: {  	v4 =	vmul.u32 $0x30, v63  }
0xb5: {  	v3 =	vand.u32 $0x7, v3  }
0xb6: {  	v3 =	vor.u32 v3, v4  }
0xb7: {  	v4 =	vperm.xlane v3, v0;
	_ =	sdelay $0x1  }
0xb8: {  	v4 =	vadd.s32 v1, v4;
	_ =	sdelay $0x3  }
0xb9: {  	v3 =	vperm.xlane v3, v2  }
0xba: {  	[tilespmem:s7], [sflag:$0x4] =	stream.indirect_vreg.gather [hbm4b:s2+s3], $0x80, v4, vm0, $0xb8;
	[tilespmem:$0x19000] =	vst v63  }
0xbb: {  	v3 =	vadd.s32 v1, v3  }
0xbc: {  	[tilespmem:s12], [sflag:$0x4] =	stream.indirect_vreg.gather [hbm4b:s5+s3], $0x80, v4, vm0, $0xb8;
	[tilespmem:$0x19000] =	vst v63  }
0xbd: {  	_ = 	snop  }
0xbe: {  	[tilespmem:s13], [sflag:$0x4] =	stream.indirect_vreg.gather [hbm4b:s6+s3], $0x80, v4, vm0, $0xb8;
	[tilespmem:$0x19000] =	vst v63  }
0xbf: {  	_ = 	snop  }
0xc0: {  	[tilespmem:s25], [sflag:$0x4] =	stream.indirect_vreg.gather [hbm4b:s2+s3], $0x80, v3, vm0, $0xb8;
	[tilespmem:$0x19000] =	vst v63  }
0xc1: {  	_ = 	snop  }
0xc2: {  	[tilespmem:s19], [sflag:$0x4] =	stream.indirect_vreg.gather [hbm4b:s5+s3], $0x80, v3, vm0, $0xb8;
	[tilespmem:$0x19000] =	vst v63  }
0xc3: {  	_ = 	snop  }
0xc4: {  	[tilespmem:s20], [sflag:$0x4] =	stream.indirect_vreg.gather [hbm4b:s6+s3], $0x80, v3, vm0, $0xb8;
	[tilespmem:$0x19000] =	vst v63  }
0xc5: {  	_ =	swait.ge [sflag:s21], $0x6000  }
0xc6: {  	[sflag:s21] =	ssyncset.done $0x0  }
0xc7: {  	s14 =	simm.s32 $0x7000;
	s31 =	sadd.s32 s30, s10;
	[sflag:s21] =	ssyncadd.s32 $0xFFFFA000  }
0xc8: {  	[hbm4b:s31+s3] =	stream.linear.scatter [tilespmem:s14], [sflag:$0x6], $0x6000, $0x38;
	[tilespmem:$0x19000] =	vst v63  }
0xc9: {  	_ =	swait.ge [sflag:s22], $0x6000  }
0xca: {  	[sflag:s22] =	ssyncset.done $0x0  }
0xcb: {  	p0 =	seq.s32 s30, $0x15000;
	[sflag:s22] =	ssyncadd.s32 $0xFFFFA000  }
0xcc: {  	v3 =	vld @!p0 [tilespmem:s29+$0x70];
	_ =	sdelay $0x4  }
0xcd: {  	v4 =	vshrl.u32 @!p0 v3, $0x3  }
0xce: {  	v4 =	vmul.u32 @!p0 $0x30, v4  }
0xcf: {  	v5 =	vlaneseq.u32 @!p0;
	v3 =	vand.u32 @!p0 $0x7, v3  }
0xd0: {  	v6 =	vshrl.u32 @!p0 v5, $0x3;
	v3 =	vor.u32 @!p0 v3, v4;
	v4 =	vand.u32 @!p0 $0x7, v5  }
0xd1: {  	v6 =	vmul.u32 @!p0 $0x8, v6;
	v7 =	vperm.xlane @!p0 v3, v4;
	_ =	sdelay $0x1  }
0xd2: {  	v7 =	vadd.s32 @!p0 v6, v7;
	_ =	sdelay $0x2  }
0xd3: {  	v5 =	vor.u32 @!p0 $0x8, v5  }
0xd4: {  	vm1 =	vmmov @!p0 $0xffff;
	s31 =	simm.s32 @!p0 $0x0;
	s14 =	simm.s32 @!p0 $0x1000;
	v3 =	vperm.xlane @!p0 v3, v5  }
0xd5: {  	[tilespmem:s14], [sflag:$0x1] =	stream.indirect_vreg.gather @!p0 [hbm4b:s2+s31], $0x80, v7, vm1, $0xb8;
	[tilespmem:$0x19000] =	vst v63  }
0xd6: {  	v3 =	vadd.s32 @!p0 v6, v3;
	s14 =	simm.s32 @!p0 $0x1800  }
0xd7: {  	[tilespmem:s14], [sflag:$0x1] =	stream.indirect_vreg.gather @!p0 [hbm4b:s5+s31], $0x80, v7, vm1, $0xb8;
	[tilespmem:$0x19000] =	vst v63  }
0xd8: {  	s14 =	simm.s32 @!p0 $0x2000  }
0xd9: {  	[tilespmem:s14], [sflag:$0x1] =	stream.indirect_vreg.gather @!p0 [hbm4b:s6+s31], $0x80, v7, vm1, $0xb8;
	[tilespmem:$0x19000] =	vst v63  }
0xda: {  	s14 =	simm.s32 @!p0 $0x2800  }
0xdb: {  	[tilespmem:s14], [sflag:$0x1] =	stream.indirect_vreg.gather @!p0 [hbm4b:s2+s31], $0x80, v3, vm1, $0xb8;
	[tilespmem:$0x19000] =	vst v63  }
0xdc: {  	s14 =	simm.s32 @!p0 $0x3000  }
0xdd: {  	[tilespmem:s14], [sflag:$0x1] =	stream.indirect_vreg.gather @!p0 [hbm4b:s5+s31], $0x80, v3, vm1, $0xb8;
	[tilespmem:$0x19000] =	vst v63  }
0xde: {  	s14 =	simm.s32 @!p0 $0x3800  }
0xdf: {  	[tilespmem:s14], [sflag:$0x1] =	stream.indirect_vreg.gather @!p0 [hbm4b:s6+s31], $0x80, v3, vm1, $0xb8;
	[tilespmem:$0x19000] =	vst v63  }
0xe0: {  	v3 =	vld @!p0 [tilespmem:s29+$0x80];
	_ =	sdelay $0x4  }
0xe1: {  	v7 =	vshrl.u32 @!p0 v3, $0x3  }
0xe2: {  	v7 =	vmul.u32 @!p0 $0x30, v7  }
0xe3: {  	v3 =	vand.u32 @!p0 $0x7, v3  }
0xe4: {  	v3 =	vor.u32 @!p0 v3, v7  }
0xe5: {  	v7 =	vperm.xlane @!p0 v3, v4;
	_ =	sdelay $0x1  }
0xe6: {  	v7 =	vadd.s32 @!p0 v6, v7;
	_ =	sdelay $0x3  }
0xe7: {  	s14 =	simm.s32 @!p0 $0x4000;
	v3 =	vperm.xlane @!p0 v3, v5  }
0xe8: {  	[tilespmem:s14], [sflag:$0x1] =	stream.indirect_vreg.gather @!p0 [hbm4b:s2+s31], $0x80, v7, vm1, $0xb8;
	[tilespmem:$0x19000] =	vst v63  }
0xe9: {  	v3 =	vadd.s32 @!p0 v6, v3;
	s14 =	simm.s32 @!p0 $0x4800  }
0xea: {  	[tilespmem:s14], [sflag:$0x1] =	stream.indirect_vreg.gather @!p0 [hbm4b:s5+s31], $0x80, v7, vm1, $0xb8;
	[tilespmem:$0x19000] =	vst v63  }
0xeb: {  	s14 =	simm.s32 @!p0 $0x5000  }
0xec: {  	[tilespmem:s14], [sflag:$0x1] =	stream.indirect_vreg.gather @!p0 [hbm4b:s6+s31], $0x80, v7, vm1, $0xb8;
	[tilespmem:$0x19000] =	vst v63  }
0xed: {  	s14 =	simm.s32 @!p0 $0x5800  }
0xee: {  	[tilespmem:s14], [sflag:$0x1] =	stream.indirect_vreg.gather @!p0 [hbm4b:s2+s31], $0x80, v3, vm1, $0xb8;
	[tilespmem:$0x19000] =	vst v63  }
0xef: {  	s14 =	simm.s32 @!p0 $0x6000  }
0xf0: {  	[tilespmem:s14], [sflag:$0x1] =	stream.indirect_vreg.gather @!p0 [hbm4b:s5+s31], $0x80, v3, vm1, $0xb8;
	[tilespmem:$0x19000] =	vst v63  }
0xf1: {  	s14 =	simm.s32 @!p0 $0x6800  }
0xf2: {  	[tilespmem:s14], [sflag:$0x1] =	stream.indirect_vreg.gather @!p0 [hbm4b:s6+s31], $0x80, v3, vm1, $0xb8;
	[tilespmem:$0x19000] =	vst v63  }
0xf3: {  	_ =	swait.ge [sflag:s23], $0x6000  }
0xf4: {  	[sflag:s23] =	ssyncset.done $0x0  }
0xf5: {  	s14 =	sadd.s32 s30, s11;
	[sflag:s23] =	ssyncadd.s32 $0xFFFFA000  }
0xf6: {  	[hbm4b:s14+s3] =	stream.linear.scatter [tilespmem:s18], [sflag:$0x7], $0x6000, $0x38;
	[tilespmem:$0x19000] =	vst v63  }
0xf7: {  	_ =	swait.ge [sflag:s24], $0x6000  }
0xf8: {  	[sflag:s24] =	ssyncset.done $0x0  }
0xf9: {  	[sflag:s24] =	ssyncadd.s32 $0xFFFFA000  }
0xfa: {  	v3 =	vld @!p0 [tilespmem:s29+$0xF0];
	_ =	sdelay $0x4  }
0xfb: {  	v7 =	vshrl.u32 @!p0 v3, $0x3  }
0xfc: {  	v7 =	vmul.u32 @!p0 $0x30, v7  }
0xfd: {  	v3 =	vand.u32 @!p0 $0x7, v3  }
0xfe: {  	v3 =	vor.u32 @!p0 v3, v7  }
0xff: {  	v7 =	vperm.xlane @!p0 v3, v4;
	_ =	sdelay $0x1  }
0x100: {  	v7 =	vadd.s32 @!p0 v6, v7;
	_ =	sdelay $0x3  }
0x101: {  	s14 =	simm.s32 @!p0 $0x7000;
	v3 =	vperm.xlane @!p0 v3, v5  }
0x102: {  	[tilespmem:s14], [sflag:$0x2] =	stream.indirect_vreg.gather @!p0 [hbm4b:s2+s31], $0x80, v7, vm1, $0xb8;
	[tilespmem:$0x19000] =	vst v63  }
0x103: {  	v3 =	vadd.s32 @!p0 v6, v3;
	s14 =	simm.s32 @!p0 $0x7800  }
0x104: {  	[tilespmem:s14], [sflag:$0x2] =	stream.indirect_vreg.gather @!p0 [hbm4b:s5+s31], $0x80, v7, vm1, $0xb8;
	[tilespmem:$0x19000] =	vst v63  }
0x105: {  	s14 =	simm.s32 @!p0 $0x8000  }
0x106: {  	[tilespmem:s14], [sflag:$0x2] =	stream.indirect_vreg.gather @!p0 [hbm4b:s6+s31], $0x80, v7, vm1, $0xb8;
	[tilespmem:$0x19000] =	vst v63  }
0x107: {  	s14 =	simm.s32 @!p0 $0x8800  }
0x108: {  	[tilespmem:s14], [sflag:$0x2] =	stream.indirect_vreg.gather @!p0 [hbm4b:s2+s31], $0x80, v3, vm1, $0xb8;
	[tilespmem:$0x19000] =	vst v63  }
0x109: {  	s14 =	simm.s32 @!p0 $0x9000  }
0x10a: {  	[tilespmem:s14], [sflag:$0x2] =	stream.indirect_vreg.gather @!p0 [hbm4b:s5+s31], $0x80, v3, vm1, $0xb8;
	[tilespmem:$0x19000] =	vst v63  }
0x10b: {  	s14 =	simm.s32 @!p0 $0x9800  }
0x10c: {  	[tilespmem:s14], [sflag:$0x2] =	stream.indirect_vreg.gather @!p0 [hbm4b:s6+s31], $0x80, v3, vm1, $0xb8;
	[tilespmem:$0x19000] =	vst v63  }
0x10d: {  	v3 =	vld @!p0 [tilespmem:s29+$0x100];
	_ =	sdelay $0x4  }
0x10e: {  	v7 =	vshrl.u32 @!p0 v3, $0x3  }
0x10f: {  	v7 =	vmul.u32 @!p0 $0x30, v7  }
0x110: {  	v3 =	vand.u32 @!p0 $0x7, v3  }
0x111: {  	v3 =	vor.u32 @!p0 v3, v7  }
0x112: {  	v4 =	vperm.xlane @!p0 v3, v4;
	_ =	sdelay $0x1  }
0x113: {  	v4 =	vadd.s32 @!p0 v6, v4;
	_ =	sdelay $0x3  }
0x114: {  	s14 =	simm.s32 @!p0 $0xA000;
	v3 =	vperm.xlane @!p0 v3, v5  }
0x115: {  	[tilespmem:s14], [sflag:$0x2] =	stream.indirect_vreg.gather @!p0 [hbm4b:s2+s31], $0x80, v4, vm1, $0xb8;
	[tilespmem:$0x19000] =	vst v63  }
0x116: {  	v3 =	vadd.s32 @!p0 v6, v3;
	s14 =	simm.s32 @!p0 $0xA800  }
0x117: {  	[tilespmem:s14], [sflag:$0x2] =	stream.indirect_vreg.gather @!p0 [hbm4b:s5+s31], $0x80, v4, vm1, $0xb8;
	[tilespmem:$0x19000] =	vst v63  }
0x118: {  	s14 =	simm.s32 @!p0 $0xB000  }
0x119: {  	[tilespmem:s14], [sflag:$0x2] =	stream.indirect_vreg.gather @!p0 [hbm4b:s6+s31], $0x80, v4, vm1, $0xb8;
	[tilespmem:$0x19000] =	vst v63  }
0x11a: {  	s14 =	simm.s32 @!p0 $0xB800  }
0x11b: {  	[tilespmem:s14], [sflag:$0x2] =	stream.indirect_vreg.gather @!p0 [hbm4b:s2+s31], $0x80, v3, vm1, $0xb8;
	[tilespmem:$0x19000] =	vst v63  }
0x11c: {  	s14 =	simm.s32 @!p0 $0xC000  }
0x11d: {  	[tilespmem:s14], [sflag:$0x2] =	stream.indirect_vreg.gather @!p0 [hbm4b:s5+s31], $0x80, v3, vm1, $0xb8;
	[tilespmem:$0x19000] =	vst v63  }
0x11e: {  	s14 =	simm.s32 @!p0 $0xC800  }
0x11f: {  	[tilespmem:s14], [sflag:$0x2] =	stream.indirect_vreg.gather @!p0 [hbm4b:s6+s31], $0x80, v3, vm1, $0xb8;
	[tilespmem:$0x19000] =	vst v63  }
0x120: {  	_ =	swait.ge [sflag:s26], $0x6000  }
0x121: {  	[sflag:s26] =	ssyncset.done $0x0  }
.Ltmp2:
0x122: {  	s31 =	sadd.s32 s30, s8;
	[sflag:s26] =	ssyncadd.s32 $0xFFFFA000;
	(pc) =	sbr.rel @p0 .LBB2_4-.Ltmp2, $4  }
0x123: {  	[hbm4b:s31+s3] =	stream.linear.scatter [tilespmem:s1], [sflag:$0x8], $0x6000, $0x38;
	[tilespmem:$0x19000] =	vst v63  }
0x124: {  	_ =	swait.ge [sflag:s28], $0x6000  }
0x125: {  	[sflag:s28] =	ssyncset.done $0x0  }
0x126: {  	[sflag:s28] =	ssyncadd.s32 $0xFFFFA000  }
0x127: {  	v3 =	vld [tilespmem:s29+$0x170];
	_ =	sdelay $0x4  }
0x128: {  	v4 =	vshrl.u32 v3, $0x3  }
0x129: {  	v4 =	vmul.u32 $0x30, v4  }
0x12a: {  	v3 =	vand.u32 $0x7, v3  }
0x12b: {  	v3 =	vor.u32 v3, v4  }
0x12c: {  	v4 =	vperm.xlane v3, v0;
	_ =	sdelay $0x1  }
0x12d: {  	v4 =	vadd.s32 v1, v4;
	_ =	sdelay $0x3  }
0x12e: {  	v3 =	vperm.xlane v3, v2  }
0x12f: {  	[tilespmem:s18], [sflag:$0x3] =	stream.indirect_vreg.gather [hbm4b:s2+s3], $0x80, v4, vm0, $0xb8;
	[tilespmem:$0x19000] =	vst v63  }
0x130: {  	s14 =	simm.s32 $0xD800;
	v3 =	vadd.s32 v1, v3  }
0x131: {  	[tilespmem:s14], [sflag:$0x3] =	stream.indirect_vreg.gather [hbm4b:s5+s3], $0x80, v4, vm0, $0xb8;
	[tilespmem:$0x19000] =	vst v63  }
0x132: {  	s31 =	simm.s32 $0xE000  }
0x133: {  	[tilespmem:s31], [sflag:$0x3] =	stream.indirect_vreg.gather [hbm4b:s6+s3], $0x80, v4, vm0, $0xb8;
	[tilespmem:$0x19000] =	vst v63  }
0x134: {  	s31 =	simm.s32 $0xE800  }
0x135: {  	[tilespmem:s31], [sflag:$0x3] =	stream.indirect_vreg.gather [hbm4b:s2+s3], $0x80, v3, vm0, $0xb8;
	[tilespmem:$0x19000] =	vst v63  }
0x136: {  	s31 =	simm.s32 $0xF000  }
0x137: {  	[tilespmem:s31], [sflag:$0x3] =	stream.indirect_vreg.gather [hbm4b:s5+s3], $0x80, v3, vm0, $0xb8;
	[tilespmem:$0x19000] =	vst v63  }
0x138: {  	s31 =	simm.s32 $0xF800  }
0x139: {  	[tilespmem:s31], [sflag:$0x3] =	stream.indirect_vreg.gather [hbm4b:s6+s3], $0x80, v3, vm0, $0xb8;
	[tilespmem:$0x19000] =	vst v63  }
0x13a: {  	v3 =	vld [tilespmem:s29+$0x180];
	_ =	sdelay $0x4  }
0x13b: {  	v63 =	vshrl.u32 v3, $0x3  }
0x13c: {  	v4 =	vmul.u32 $0x30, v63  }
0x13d: {  	v3 =	vand.u32 $0x7, v3  }
0x13e: {  	v3 =	vor.u32 v3, v4  }
0x13f: {  	v4 =	vperm.xlane v3, v0;
	_ =	sdelay $0x1  }
0x140: {  	v4 =	vadd.s32 v1, v4;
	_ =	sdelay $0x3  }
0x141: {  	s31 =	simm.s32 $0x10000;
	v3 =	vperm.xlane v3, v2  }
0x142: {  	[tilespmem:s31], [sflag:$0x3] =	stream.indirect_vreg.gather [hbm4b:s2+s3], $0x80, v4, vm0, $0xb8;
	[tilespmem:$0x19000] =	vst v63  }
0x143: {  	v3 =	vadd.s32 v1, v3;
	s31 =	simm.s32 $0x10800  }
0x144: {  	[tilespmem:s31], [sflag:$0x3] =	stream.indirect_vreg.gather [hbm4b:s5+s3], $0x80, v4, vm0, $0xb8;
	[tilespmem:$0x19000] =	vst v63  }
0x145: {  	s31 =	simm.s32 $0x11000  }
0x146: {  	[tilespmem:s31], [sflag:$0x3] =	stream.indirect_vreg.gather [hbm4b:s6+s3], $0x80, v4, vm0, $0xb8;
	[tilespmem:$0x19000] =	vst v63  }
0x147: {  	s31 =	simm.s32 $0x11800  }
0x148: {  	[tilespmem:s31], [sflag:$0x3] =	stream.indirect_vreg.gather [hbm4b:s2+s3], $0x80, v3, vm0, $0xb8;
	[tilespmem:$0x19000] =	vst v63  }
.Ltmp3:
0x149: {  	_ = 	snop;
	(pc) =	sbr.rel .LBB2_2-.Ltmp3, $4  }
0x14a: {  	s31 =	simm.s32 $0x12000  }
0x14b: {  	[tilespmem:s31], [sflag:$0x3] =	stream.indirect_vreg.gather [hbm4b:s5+s3], $0x80, v3, vm0, $0xb8;
	[tilespmem:$0x19000] =	vst v63  }
0x14c: {  	s30 =	sadd.s32 $0x3000, s30;
	s29 =	sadd.s32 $0x200, s29;
	s31 =	simm.s32 $0x12800  }
0x14d: {  	[tilespmem:s31], [sflag:$0x3] =	stream.indirect_vreg.gather [hbm4b:s6+s3], $0x80, v3, vm0, $0xb8;
	[tilespmem:$0x19000] =	vst v63  }
.LBB2_5:
0x14e: {  	_ =	sfence.sel $0x180000  }
0x14f: {  	[bflag:$0x0] =	sbarrier.arrive $0xFFFF  }
0x150: {  	_ =	strace $0x90000047  }
0x151: {  	s0 =	stileid.u32;
	[bflag:$0x2] =	sbarrier.arrive $0xFFFF  }
0x152: {  	p0 =	sne.s32 s0, $0x0;
	s0 =	rddreg [dreg:$0x3]  }
0x153: {  	s0 =	sadd.s32 @!p0 $0x100000, s0  }
0x154: {  	[sflag:s0] =	ssyncadd.tile.s32 @!p0 $0x1;
	_ =	shalt  }
.Lfunc_end2:
_tile_overlayer_lowered:
.L_overlay_start_2:
0x155: {  	(tag) =	ssettag $0x2  }
0x156: {  	s0 =	rddreg [dreg:$0x0];
	s2 =	stileid.u32  }
0x157: {  	s1 =	rddreg [dreg:$0x1];
	p0 =	sne.s32 s2, $0x0  }
0x158: {  	s3 =	rddreg [dreg:$0x2];
	[bflag:$0x3] =	sbarrier.arrive $0xFFFF;
	s2 =	simm.s32 @!p0 $0x1C09  }
0x159: {  	[timem:s3], [sflag:s2] =	dma.local @!p0 [hbm:s0], s1  }
0x15a: {  	s0 =	simm.s32 @!p0 $0x9  }
0x15b: {  	_ =	swait.ge @!p0 [sflag:s0], s1  }
0x15c: {  	s1 =	ssub.s32 @!p0 $0x0, s1;
	[sflag:s0] =	ssyncset.done @!p0 $0x0  }
0x15d: {  	[sflag:s0] =	ssyncadd.s32 @!p0 s1  }
0x15e: {  	[bflag:$0x3] =	sbarrier.arrive $0xFFFF  }
0x15f: {  	_ =	shalt  }

</sc_bundles>
